<compile_context>
chip_gen: v7x
topology: tpu7x:2x2x1
jax: 0.10.2.dev20260603
libtpu: 0.0.44.dev20260713+nightly
codegen_flags: <defaults>
</compile_context>

<pallas_src>
import functools

import numpy as np
import jax
import jax.numpy as jnp
from jax import lax
from jax.experimental import pallas as pl
from jax.experimental.pallas import tpu as pltpu
from jax.experimental.pallas import tpu_sc as plsc

B = 4096
INPUT_ROWS = 260001
F = 26
D = 64
E_COLS = F * D
NPAIR = F * (F - 1) // 2
PAIR_PAD = 384
H1 = 400
H2 = 400
BN_EPS = 1e-3

_OFFSETS = np.arange(F, dtype=np.int32) * 10000

_kk = np.repeat(np.arange(F // 2, dtype=np.int32), 2 * B)
_bb = np.tile(np.repeat(np.arange(B, dtype=np.int32), 2), F // 2)
_pp = np.tile(np.array([0, 1], dtype=np.int32), B * (F // 2))
_PERMG = _bb * F + 2 * _kk + _pp

_pairs = [(i, i + o) for o in range(1, F) for i in range(F - o)]
PERM = np.array([i * 25 - i * (i - 1) // 2 + (j - i - 1) for i, j in _pairs],
                dtype=np.int32)

NW = 32
ROWS = B * F
RPW = ROWS // NW
CHUNK = 128
KFIRE = 13
HALF = KFIRE * CHUNK


@functools.lru_cache(maxsize=None)
def _make_gather_sc():
    @functools.partial(
        pl.kernel,
        mesh=plsc.VectorSubcoreMesh(core_axis_name="c", subcore_axis_name="s"),
        out_type=jax.ShapeDtypeStruct((ROWS, D), jnp.float32),
        scratch_types=[
            pltpu.VMEM((RPW,), jnp.int32),
            pltpu.VMEM((HALF, D), jnp.float32),
            pltpu.SemaphoreType.DMA,
        ],
        compiler_params=pltpu.CompilerParams(use_tc_tiling_on_sc=False),
    )
    def _gather_sc(table_hbm, idx_hbm, out_hbm, idx_v, rows_v, sem):
        wid = lax.axis_index("s") * 2 + lax.axis_index("c")
        base = wid * RPW
        pltpu.sync_copy(idx_hbm.at[pl.ds(base, RPW)], idx_v)
        for h in range(RPW // HALF):
            cps = []
            for c in range(KFIRE):
                cp = pltpu.make_async_copy(
                    table_hbm.at[idx_v.at[pl.ds(h * HALF + c * CHUNK, CHUNK)]],
                    rows_v.at[pl.ds(c * CHUNK, CHUNK), :],
                    sem,
                )
                cp.start()
                cps.append(cp)
            for cp in cps:
                cp.wait()
            pltpu.sync_copy(rows_v, out_hbm.at[pl.ds(base + h * HALF, HALF)])

    return _gather_sc


BB = 1024

_seg_w = [F - o for o in range(1, F)]
_seg_w8 = [-(-w // 8) * 8 for w in _seg_w]
_SEG_OFF = np.cumsum([0] + _seg_w8[:-1]).astype(np.int32)
PADK = int(np.sum(_seg_w8))
_PAD_POS = np.concatenate(
    [_SEG_OFF[o - 1] + np.arange(F - o) for o in range(1, F)]).astype(np.int32)


def _dot00(a, b):
    return lax.dot_general(a, b, (((0,), (0,)), ((), ())),
                           preferred_element_type=jnp.float32)


def _tc_body(e3_ref, w1a_ref, w1b_ref, s1_ref, b1_ref, w2_ref, s2_ref,
             b2_ref, w3_ref, b3_ref, out_ref):
    et = jnp.concatenate(
        [jnp.transpose(e3_ref[k]) for k in range(F // 2)], axis=0)
    pieces = []
    for o in range(1, F):
        w = F - o
        c = et[:w * D, :] * et[o * D:, :]
        s = jnp.sum(c.reshape(w, D, BB), axis=1)
        pad = _seg_w8[o - 1] - w
        if pad:
            s = jnp.concatenate(
                [s, jnp.zeros((pad, BB), jnp.float32)], axis=0)
        pieces.append(s)
    prod_t = jnp.concatenate(pieces, axis=0)
    h = _dot00(w1a_ref[...], et)
    h += _dot00(w1b_ref[...], prod_t)
    h = jnp.maximum(h * s1_ref[...] + b1_ref[...], 0.0)
    h = _dot00(w2_ref[...], h)
    h = jnp.maximum(h * s2_ref[...] + b2_ref[...], 0.0)
    z = _dot00(w3_ref[...], h) + b3_ref[...]
    out_ref[...] = jnp.transpose(jax.nn.sigmoid(z))


_tc_call = pl.pallas_call(
    _tc_body,
    grid=(B // BB,),
    in_specs=[
        pl.BlockSpec((F // 2, BB, 2 * D), lambda i: (0, i, 0)),
        pl.BlockSpec((E_COLS, H1), lambda i: (0, 0)),
        pl.BlockSpec((PADK, H1), lambda i: (0, 0)),
        pl.BlockSpec((H1, 1), lambda i: (0, 0)),
        pl.BlockSpec((H1, 1), lambda i: (0, 0)),
        pl.BlockSpec((H1, H2), lambda i: (0, 0)),
        pl.BlockSpec((H2, 1), lambda i: (0, 0)),
        pl.BlockSpec((H2, 1), lambda i: (0, 0)),
        pl.BlockSpec((H2, 1), lambda i: (0, 0)),
        pl.BlockSpec((1, 1), lambda i: (0, 0)),
    ],
    out_specs=pl.BlockSpec((BB, 1), lambda i: (i, 0)),
    out_shape=jax.ShapeDtypeStruct((B, 1), jnp.float32),
)


def kernel(x, emb_table, W1, b1, g1, be1, W2, b2, g2, be2, W3, b3):
    m_flat = (x.astype(jnp.int32) + _OFFSETS[None, :]).reshape(-1)
    idx = m_flat[_PERMG]
    e = _make_gather_sc()(emb_table, idx)

    s1 = (g1 * (1.0 / np.sqrt(1.0 + BN_EPS))).reshape(H1, 1)
    b1f = b1.reshape(H1, 1) * s1 + be1.reshape(H1, 1)
    s2 = (g2 * (1.0 / np.sqrt(1.0 + BN_EPS))).reshape(H2, 1)
    b2f = b2.reshape(H2, 1) * s2 + be2.reshape(H2, 1)
    w1bp = jnp.zeros((PADK, H1), jnp.float32).at[_PAD_POS].set(
        W1[E_COLS:][PERM])

    out = _tc_call(e.reshape(F // 2, B, 2 * D),
                   W1, w1bp, s1, b1f, W2, s2, b2f, W3, b3.reshape(1, 1))
    return out

# --- scband reference (transcript-rebuilt; emitter-appended) ---
"""Pipeline reference for scband-pnn-58377195487416 (READ-ONLY COPY).

The authoritative reference and input builder live on the scoring server;
editing this copy changes nothing except your own understanding.
"""

import jax, jax.numpy as jnp
import numpy as np

FEATURE_FIELDS = [10000] * 26
NUM_FIELDS = len(FEATURE_FIELDS)
EMBED_DIM = 64
INPUT_DIMS = sum(FEATURE_FIELDS) + 1  # 260001
OFFSETS = np.array((0, *np.cumsum(FEATURE_FIELDS)[:-1]), dtype=np.int64)
NUM_IX = NUM_FIELDS * (NUM_FIELDS - 1) // 2  # 325
MLP_IN = NUM_FIELDS * EMBED_DIM + NUM_IX    # 1989
MLP_DIMS = [400, 400]
BATCH = 4096
BN_EPS = 1e-3

_row, _col = [], []
for i in range(NUM_FIELDS - 1):
    for j in range(i + 1, NUM_FIELDS):
        _row.append(i)
        _col.append(j)
ROW = np.array(_row, dtype=np.int32)
COL = np.array(_col, dtype=np.int32)


def setup_inputs(seed: int = 0) -> dict:
    key = jax.random.key(seed)
    ks = jax.random.split(key, 16)
    x = jax.random.randint(ks[0], (BATCH, NUM_FIELDS), 0, 10000, dtype=jnp.int32).astype(jnp.int64)
    emb_table = jax.random.normal(ks[1], (INPUT_DIMS, EMBED_DIM), dtype=jnp.float32) * 0.05
    W1 = jax.random.normal(ks[2], (MLP_IN, MLP_DIMS[0]), dtype=jnp.float32) * 0.05
    b1 = jnp.zeros((MLP_DIMS[0],), dtype=jnp.float32)
    g1 = jnp.ones((MLP_DIMS[0],), dtype=jnp.float32)
    be1 = jnp.zeros((MLP_DIMS[0],), dtype=jnp.float32)
    W2 = jax.random.normal(ks[3], (MLP_DIMS[0], MLP_DIMS[1]), dtype=jnp.float32) * 0.05
    b2 = jnp.zeros((MLP_DIMS[1],), dtype=jnp.float32)
    g2 = jnp.ones((MLP_DIMS[1],), dtype=jnp.float32)
    be2 = jnp.zeros((MLP_DIMS[1],), dtype=jnp.float32)
    W3 = jax.random.normal(ks[4], (MLP_DIMS[1], 1), dtype=jnp.float32) * 0.05
    b3 = jnp.zeros((1,), dtype=jnp.float32)
    return {"x": x, "emb_table": emb_table, "W1": W1, "b1": b1, "g1": g1, "be1": be1,
            "W2": W2, "b2": b2, "g2": g2, "be2": be2, "W3": W3, "b3": b3}


def reference(x, emb_table, W1, b1, g1, be1, W2, b2, g2, be2, W3, b3):
    # offset indices per field, then embedding lookup (gather)
    idx = x + jnp.asarray(OFFSETS)[None, :]
    e = jnp.take(emb_table, idx, axis=0)  # [B, F, D]
    # inner product network over all field pairs
    p = jnp.take(e, jnp.asarray(ROW), axis=1)  # [B, num_ix, D]
    q = jnp.take(e, jnp.asarray(COL), axis=1)
    product_part = jnp.sum(p * q, axis=2)  # [B, num_ix]
    h = jnp.concatenate([e.reshape(-1, NUM_FIELDS * EMBED_DIM), product_part], axis=1)
    # MLP layer 1: Dense -> BN(inference: mean=0, var=1) -> ReLU (dropout inactive)
    h = h @ W1 + b1
    h = (h / jnp.sqrt(1.0 + BN_EPS)) * g1 + be1
    h = jax.nn.relu(h)
    # MLP layer 2
    h = h @ W2 + b2
    h = (h / jnp.sqrt(1.0 + BN_EPS)) * g2 + be2
    h = jax.nn.relu(h)
    # output
    out = h @ W3 + b3
    return jax.nn.sigmoid(out)

if __name__ == "__main__":
    import jax
    _d = setup_inputs()
    print(jax.jit(kernel)(*tuple(_d.values())))

</pallas_src>

<mosaic_0001>
#map = affine_map<(d0, d1) -> (0, 0)>
#map1 = affine_map<(d0, d1) -> (0)>
module attributes {stable_mosaic.version = 14 : i64} {
  func.func @_gather_sc(%arg0: i32, %arg1: i32, %arg2: memref<260001x64xf32, #tpu.memory_space<hbm>>, %arg3: memref<106496xi32, #tpu.memory_space<hbm>>, %arg4: memref<106496x64xf32, #tpu.memory_space<hbm>>, %arg5: memref<3328xi32, #tpu.memory_space<vmem>>, %arg6: memref<1664x64xf32, #tpu.memory_space<vmem>>, %arg7: memref<!tpu.dma_semaphore, #tpu.memory_space<semaphore_mem>>) attributes {dimension_semantics = [#tpu.dimension_semantics<core_parallel>, #tpu.dimension_semantics<subcore_parallel>], iteration_bounds = array<i64: 2, 16>, scalar_prefetch = 0 : i64, scratch_operands = 3 : i64, tpu.core_type = #tpu.core_type<sc_vector_subcore>, window_params = [{transform_indices = #map}, {transform_indices = #map1}, {transform_indices = #map}]} {
    %mul3A = arith.constant 2 : i32
    %mul3A_0 = arith.muli %arg1, %mul3A : i32
    %add3A = arith.addi %mul3A_0, %arg0 : i32
    %mul3A_1 = arith.constant 3328 : i32
    %mul3A_2 = arith.muli %add3A, %mul3A_1 : i32
    "tpu.region"() ({
      %run_scoped3A = tpu.sem_alloc : memref<!tpu.dma_semaphore, #tpu.memory_space<semaphore_mem>>
      %dma_start3A_421 = tpu.memref_slice %arg3[%mul3A_2] : memref<106496xi32, #tpu.memory_space<hbm>> -> memref<3328xi32, #tpu.memory_space<hbm>>
      %dma_start3A_422 = tpu.memref_slice %arg3[%mul3A_2] : memref<106496xi32, #tpu.memory_space<hbm>> -> memref<3328xi32, #tpu.memory_space<hbm>>
      tpu.enqueue_dma source(%dma_start3A_422 : memref<3328xi32, #tpu.memory_space<hbm>>) target(%arg5 : memref<3328xi32, #tpu.memory_space<vmem>>) target_semaphore(%run_scoped3A : memref<!tpu.dma_semaphore, #tpu.memory_space<semaphore_mem>>)
      %dma_wait3A_423 = tpu.memref_slice %arg3[%mul3A_2] : memref<106496xi32, #tpu.memory_space<hbm>> -> memref<3328xi32, #tpu.memory_space<hbm>>
      %dma_wait3A_424 = tpu.memref_slice %arg3[%mul3A_2] : memref<106496xi32, #tpu.memory_space<hbm>> -> memref<3328xi32, #tpu.memory_space<hbm>>
      tpu.wait_dma2 semaphore(%run_scoped3A : memref<!tpu.dma_semaphore, #tpu.memory_space<semaphore_mem>>) src(%dma_wait3A_424 : memref<3328xi32, #tpu.memory_space<hbm>>) dst(%arg5 : memref<3328xi32, #tpu.memory_space<vmem>>)
      tpu.yield
    }) : () -> ()
    %dma_start3A = arith.constant 0 : i32
    %dma_start3A_3 = arith.constant 0 : i32
    %dma_start3A_4 = tpu.memref_slice %arg6[%dma_start3A, %dma_start3A_3] : memref<1664x64xf32, #tpu.memory_space<vmem>> -> memref<128x64xf32, #tpu.memory_space<vmem>>
    %dma_start3A_5 = arith.constant 0 : i32
    %dma_start3A_6 = tpu.memref_slice %arg5[%dma_start3A_5] : memref<3328xi32, #tpu.memory_space<vmem>> -> memref<128xi32, #tpu.memory_space<vmem>>
    %dma_start3A_7 = arith.constant 0 : i32
    %dma_start3A_8 = arith.constant 0 : i32
    %dma_start3A_9 = tpu.memref_slice %arg2[%dma_start3A_7, %dma_start3A_8] : memref<260001x64xf32, #tpu.memory_space<hbm>> -> memref<260001x64xf32, #tpu.memory_space<hbm>>
    tpu.enqueue_indirect_dma source(%dma_start3A_9 : memref<260001x64xf32, #tpu.memory_space<hbm>>) target(%dma_start3A_4 : memref<128x64xf32, #tpu.memory_space<vmem>>) offsets(%dma_start3A_6 : memref<128xi32, #tpu.memory_space<vmem>>) semaphore(%arg7 : memref<!tpu.dma_semaphore, #tpu.memory_space<semaphore_mem>>)
    %dma_start3A_10 = arith.constant 128 : i32
    %dma_start3A_11 = arith.constant 0 : i32
    %dma_start3A_12 = tpu.memref_slice %arg6[%dma_start3A_10, %dma_start3A_11] : memref<1664x64xf32, #tpu.memory_space<vmem>> -> memref<128x64xf32, #tpu.memory_space<vmem>>
    %dma_start3A_13 = arith.constant 128 : i32
    %dma_start3A_14 = tpu.memref_slice %arg5[%dma_start3A_13] : memref<3328xi32, #tpu.memory_space<vmem>> -> memref<128xi32, #tpu.memory_space<vmem>>
    %dma_start3A_15 = arith.constant 0 : i32
    %dma_start3A_16 = arith.constant 0 : i32
    %dma_start3A_17 = tpu.memref_slice %arg2[%dma_start3A_15, %dma_start3A_16] : memref<260001x64xf32, #tpu.memory_space<hbm>> -> memref<260001x64xf32, #tpu.memory_space<hbm>>
    tpu.enqueue_indirect_dma source(%dma_start3A_17 : memref<260001x64xf32, #tpu.memory_space<hbm>>) target(%dma_start3A_12 : memref<128x64xf32, #tpu.memory_space<vmem>>) offsets(%dma_start3A_14 : memref<128xi32, #tpu.memory_space<vmem>>) semaphore(%arg7 : memref<!tpu.dma_semaphore, #tpu.memory_space<semaphore_mem>>)
    %dma_start3A_18 = arith.constant 256 : i32
    %dma_start3A_19 = arith.constant 0 : i32
    %dma_start3A_20 = tpu.memref_slice %arg6[%dma_start3A_18, %dma_start3A_19] : memref<1664x64xf32, #tpu.memory_space<vmem>> -> memref<128x64xf32, #tpu.memory_space<vmem>>
    %dma_start3A_21 = arith.constant 256 : i32
    %dma_start3A_22 = tpu.memref_slice %arg5[%dma_start3A_21] : memref<3328xi32, #tpu.memory_space<vmem>> -> memref<128xi32, #tpu.memory_space<vmem>>
    %dma_start3A_23 = arith.constant 0 : i32
    %dma_start3A_24 = arith.constant 0 : i32
    %dma_start3A_25 = tpu.memref_slice %arg2[%dma_start3A_23, %dma_start3A_24] : memref<260001x64xf32, #tpu.memory_space<hbm>> -> memref<260001x64xf32, #tpu.memory_space<hbm>>
    tpu.enqueue_indirect_dma source(%dma_start3A_25 : memref<260001x64xf32, #tpu.memory_space<hbm>>) target(%dma_start3A_20 : memref<128x64xf32, #tpu.memory_space<vmem>>) offsets(%dma_start3A_22 : memref<128xi32, #tpu.memory_space<vmem>>) semaphore(%arg7 : memref<!tpu.dma_semaphore, #tpu.memory_space<semaphore_mem>>)
    %dma_start3A_26 = arith.constant 384 : i32
    %dma_start3A_27 = arith.constant 0 : i32
    %dma_start3A_28 = tpu.memref_slice %arg6[%dma_start3A_26, %dma_start3A_27] : memref<1664x64xf32, #tpu.memory_space<vmem>> -> memref<128x64xf32, #tpu.memory_space<vmem>>
    %dma_start3A_29 = arith.constant 384 : i32
    %dma_start3A_30 = tpu.memref_slice %arg5[%dma_start3A_29] : memref<3328xi32, #tpu.memory_space<vmem>> -> memref<128xi32, #tpu.memory_space<vmem>>
    %dma_start3A_31 = arith.constant 0 : i32
    %dma_start3A_32 = arith.constant 0 : i32
    %dma_start3A_33 = tpu.memref_slice %arg2[%dma_start3A_31, %dma_start3A_32] : memref<260001x64xf32, #tpu.memory_space<hbm>> -> memref<260001x64xf32, #tpu.memory_space<hbm>>
    tpu.enqueue_indirect_dma source(%dma_start3A_33 : memref<260001x64xf32, #tpu.memory_space<hbm>>) target(%dma_start3A_28 : memref<128x64xf32, #tpu.memory_space<vmem>>) offsets(%dma_start3A_30 : memref<128xi32, #tpu.memory_space<vmem>>) semaphore(%arg7 : memref<!tpu.dma_semaphore, #tpu.memory_space<semaphore_mem>>)
    %dma_start3A_34 = arith.constant 512 : i32
    %dma_start3A_35 = arith.constant 0 : i32
    %dma_start3A_36 = tpu.memref_slice %arg6[%dma_start3A_34, %dma_start3A_35] : memref<1664x64xf32, #tpu.memory_space<vmem>> -> memref<128x64xf32, #tpu.memory_space<vmem>>
    %dma_start3A_37 = arith.constant 512 : i32
    %dma_start3A_38 = tpu.memref_slice %arg5[%dma_start3A_37] : memref<3328xi32, #tpu.memory_space<vmem>> -> memref<128xi32, #tpu.memory_space<vmem>>
    %dma_start3A_39 = arith.constant 0 : i32
    %dma_start3A_40 = arith.constant 0 : i32
    %dma_start3A_41 = tpu.memref_slice %arg2[%dma_start3A_39, %dma_start3A_40] : memref<260001x64xf32, #tpu.memory_space<hbm>> -> memref<260001x64xf32, #tpu.memory_space<hbm>>
    tpu.enqueue_indirect_dma source(%dma_start3A_41 : memref<260001x64xf32, #tpu.memory_space<hbm>>) target(%dma_start3A_36 : memref<128x64xf32, #tpu.memory_space<vmem>>) offsets(%dma_start3A_38 : memref<128xi32, #tpu.memory_space<vmem>>) semaphore(%arg7 : memref<!tpu.dma_semaphore, #tpu.memory_space<semaphore_mem>>)
    %dma_start3A_42 = arith.constant 640 : i32
    %dma_start3A_43 = arith.constant 0 : i32
    %dma_start3A_44 = tpu.memref_slice %arg6[%dma_start3A_42, %dma_start3A_43] : memref<1664x64xf32, #tpu.memory_space<vmem>> -> memref<128x64xf32, #tpu.memory_space<vmem>>
    %dma_start3A_45 = arith.constant 640 : i32
    %dma_start3A_46 = tpu.memref_slice %arg5[%dma_start3A_45] : memref<3328xi32, #tpu.memory_space<vmem>> -> memref<128xi32, #tpu.memory_space<vmem>>
    %dma_start3A_47 = arith.constant 0 : i32
    %dma_start3A_48 = arith.constant 0 : i32
    %dma_start3A_49 = tpu.memref_slice %arg2[%dma_start3A_47, %dma_start3A_48] : memref<260001x64xf32, #tpu.memory_space<hbm>> -> memref<260001x64xf32, #tpu.memory_space<hbm>>
    tpu.enqueue_indirect_dma source(%dma_start3A_49 : memref<260001x64xf32, #tpu.memory_space<hbm>>) target(%dma_start3A_44 : memref<128x64xf32, #tpu.memory_space<vmem>>) offsets(%dma_start3A_46 : memref<128xi32, #tpu.memory_space<vmem>>) semaphore(%arg7 : memref<!tpu.dma_semaphore, #tpu.memory_space<semaphore_mem>>)
    %dma_start3A_50 = arith.constant 768 : i32
    %dma_start3A_51 = arith.constant 0 : i32
    %dma_start3A_52 = tpu.memref_slice %arg6[%dma_start3A_50, %dma_start3A_51] : memref<1664x64xf32, #tpu.memory_space<vmem>> -> memref<128x64xf32, #tpu.memory_space<vmem>>
    %dma_start3A_53 = arith.constant 768 : i32
    %dma_start3A_54 = tpu.memref_slice %arg5[%dma_start3A_53] : memref<3328xi32, #tpu.memory_space<vmem>> -> memref<128xi32, #tpu.memory_space<vmem>>
    %dma_start3A_55 = arith.constant 0 : i32
    %dma_start3A_56 = arith.constant 0 : i32
    %dma_start3A_57 = tpu.memref_slice %arg2[%dma_start3A_55, %dma_start3A_56] : memref<260001x64xf32, #tpu.memory_space<hbm>> -> memref<260001x64xf32, #tpu.memory_space<hbm>>
    tpu.enqueue_indirect_dma source(%dma_start3A_57 : memref<260001x64xf32, #tpu.memory_space<hbm>>) target(%dma_start3A_52 : memref<128x64xf32, #tpu.memory_space<vmem>>) offsets(%dma_start3A_54 : memref<128xi32, #tpu.memory_space<vmem>>) semaphore(%arg7 : memref<!tpu.dma_semaphore, #tpu.memory_space<semaphore_mem>>)
    %dma_start3A_58 = arith.constant 896 : i32
    %dma_start3A_59 = arith.constant 0 : i32
    %dma_start3A_60 = tpu.memref_slice %arg6[%dma_start3A_58, %dma_start3A_59] : memref<1664x64xf32, #tpu.memory_space<vmem>> -> memref<128x64xf32, #tpu.memory_space<vmem>>
    %dma_start3A_61 = arith.constant 896 : i32
    %dma_start3A_62 = tpu.memref_slice %arg5[%dma_start3A_61] : memref<3328xi32, #tpu.memory_space<vmem>> -> memref<128xi32, #tpu.memory_space<vmem>>
    %dma_start3A_63 = arith.constant 0 : i32
    %dma_start3A_64 = arith.constant 0 : i32
    %dma_start3A_65 = tpu.memref_slice %arg2[%dma_start3A_63, %dma_start3A_64] : memref<260001x64xf32, #tpu.memory_space<hbm>> -> memref<260001x64xf32, #tpu.memory_space<hbm>>
    tpu.enqueue_indirect_dma source(%dma_start3A_65 : memref<260001x64xf32, #tpu.memory_space<hbm>>) target(%dma_start3A_60 : memref<128x64xf32, #tpu.memory_space<vmem>>) offsets(%dma_start3A_62 : memref<128xi32, #tpu.memory_space<vmem>>) semaphore(%arg7 : memref<!tpu.dma_semaphore, #tpu.memory_space<semaphore_mem>>)
    %dma_start3A_66 = arith.constant 1024 : i32
    %dma_start3A_67 = arith.constant 0 : i32
    %dma_start3A_68 = tpu.memref_slice %arg6[%dma_start3A_66, %dma_start3A_67] : memref<1664x64xf32, #tpu.memory_space<vmem>> -> memref<128x64xf32, #tpu.memory_space<vmem>>
    %dma_start3A_69 = arith.constant 1024 : i32
    %dma_start3A_70 = tpu.memref_slice %arg5[%dma_start3A_69] : memref<3328xi32, #tpu.memory_space<vmem>> -> memref<128xi32, #tpu.memory_space<vmem>>
    %dma_start3A_71 = arith.constant 0 : i32
    %dma_start3A_72 = arith.constant 0 : i32
    %dma_start3A_73 = tpu.memref_slice %arg2[%dma_start3A_71, %dma_start3A_72] : memref<260001x64xf32, #tpu.memory_space<hbm>> -> memref<260001x64xf32, #tpu.memory_space<hbm>>
    tpu.enqueue_indirect_dma source(%dma_start3A_73 : memref<260001x64xf32, #tpu.memory_space<hbm>>) target(%dma_start3A_68 : memref<128x64xf32, #tpu.memory_space<vmem>>) offsets(%dma_start3A_70 : memref<128xi32, #tpu.memory_space<vmem>>) semaphore(%arg7 : memref<!tpu.dma_semaphore, #tpu.memory_space<semaphore_mem>>)
    %dma_start3A_74 = arith.constant 1152 : i32
    %dma_start3A_75 = arith.constant 0 : i32
    %dma_start3A_76 = tpu.memref_slice %arg6[%dma_start3A_74, %dma_start3A_75] : memref<1664x64xf32, #tpu.memory_space<vmem>> -> memref<128x64xf32, #tpu.memory_space<vmem>>
    %dma_start3A_77 = arith.constant 1152 : i32
    %dma_start3A_78 = tpu.memref_slice %arg5[%dma_start3A_77] : memref<3328xi32, #tpu.memory_space<vmem>> -> memref<128xi32, #tpu.memory_space<vmem>>
    %dma_start3A_79 = arith.constant 0 : i32
    %dma_start3A_80 = arith.constant 0 : i32
    %dma_start3A_81 = tpu.memref_slice %arg2[%dma_start3A_79, %dma_start3A_80] : memref<260001x64xf32, #tpu.memory_space<hbm>> -> memref<260001x64xf32, #tpu.memory_space<hbm>>
    tpu.enqueue_indirect_dma source(%dma_start3A_81 : memref<260001x64xf32, #tpu.memory_space<hbm>>) target(%dma_start3A_76 : memref<128x64xf32, #tpu.memory_space<vmem>>) offsets(%dma_start3A_78 : memref<128xi32, #tpu.memory_space<vmem>>) semaphore(%arg7 : memref<!tpu.dma_semaphore, #tpu.memory_space<semaphore_mem>>)
    %dma_start3A_82 = arith.constant 1280 : i32
    %dma_start3A_83 = arith.constant 0 : i32
    %dma_start3A_84 = tpu.memref_slice %arg6[%dma_start3A_82, %dma_start3A_83] : memref<1664x64xf32, #tpu.memory_space<vmem>> -> memref<128x64xf32, #tpu.memory_space<vmem>>
    %dma_start3A_85 = arith.constant 1280 : i32
    %dma_start3A_86 = tpu.memref_slice %arg5[%dma_start3A_85] : memref<3328xi32, #tpu.memory_space<vmem>> -> memref<128xi32, #tpu.memory_space<vmem>>
    %dma_start3A_87 = arith.constant 0 : i32
    %dma_start3A_88 = arith.constant 0 : i32
    %dma_start3A_89 = tpu.memref_slice %arg2[%dma_start3A_87, %dma_start3A_88] : memref<260001x64xf32, #tpu.memory_space<hbm>> -> memref<260001x64xf32, #tpu.memory_space<hbm>>
    tpu.enqueue_indirect_dma source(%dma_start3A_89 : memref<260001x64xf32, #tpu.memory_space<hbm>>) target(%dma_start3A_84 : memref<128x64xf32, #tpu.memory_space<vmem>>) offsets(%dma_start3A_86 : memref<128xi32, #tpu.memory_space<vmem>>) semaphore(%arg7 : memref<!tpu.dma_semaphore, #tpu.memory_space<semaphore_mem>>)
    %dma_start3A_90 = arith.constant 1408 : i32
    %dma_start3A_91 = arith.constant 0 : i32
    %dma_start3A_92 = tpu.memref_slice %arg6[%dma_start3A_90, %dma_start3A_91] : memref<1664x64xf32, #tpu.memory_space<vmem>> -> memref<128x64xf32, #tpu.memory_space<vmem>>
    %dma_start3A_93 = arith.constant 1408 : i32
    %dma_start3A_94 = tpu.memref_slice %arg5[%dma_start3A_93] : memref<3328xi32, #tpu.memory_space<vmem>> -> memref<128xi32, #tpu.memory_space<vmem>>
    %dma_start3A_95 = arith.constant 0 : i32
    %dma_start3A_96 = arith.constant 0 : i32
    %dma_start3A_97 = tpu.memref_slice %arg2[%dma_start3A_95, %dma_start3A_96] : memref<260001x64xf32, #tpu.memory_space<hbm>> -> memref<260001x64xf32, #tpu.memory_space<hbm>>
    tpu.enqueue_indirect_dma source(%dma_start3A_97 : memref<260001x64xf32, #tpu.memory_space<hbm>>) target(%dma_start3A_92 : memref<128x64xf32, #tpu.memory_space<vmem>>) offsets(%dma_start3A_94 : memref<128xi32, #tpu.memory_space<vmem>>) semaphore(%arg7 : memref<!tpu.dma_semaphore, #tpu.memory_space<semaphore_mem>>)
    %dma_start3A_98 = arith.constant 1536 : i32
    %dma_start3A_99 = arith.constant 0 : i32
    %dma_start3A_100 = tpu.memref_slice %arg6[%dma_start3A_98, %dma_start3A_99] : memref<1664x64xf32, #tpu.memory_space<vmem>> -> memref<128x64xf32, #tpu.memory_space<vmem>>
    %dma_start3A_101 = arith.constant 1536 : i32
    %dma_start3A_102 = tpu.memref_slice %arg5[%dma_start3A_101] : memref<3328xi32, #tpu.memory_space<vmem>> -> memref<128xi32, #tpu.memory_space<vmem>>
    %dma_start3A_103 = arith.constant 0 : i32
    %dma_start3A_104 = arith.constant 0 : i32
    %dma_start3A_105 = tpu.memref_slice %arg2[%dma_start3A_103, %dma_start3A_104] : memref<260001x64xf32, #tpu.memory_space<hbm>> -> memref<260001x64xf32, #tpu.memory_space<hbm>>
    tpu.enqueue_indirect_dma source(%dma_start3A_105 : memref<260001x64xf32, #tpu.memory_space<hbm>>) target(%dma_start3A_100 : memref<128x64xf32, #tpu.memory_space<vmem>>) offsets(%dma_start3A_102 : memref<128xi32, #tpu.memory_space<vmem>>) semaphore(%arg7 : memref<!tpu.dma_semaphore, #tpu.memory_space<semaphore_mem>>)
    %dma_wait3A = arith.constant 0 : i32
    %dma_wait3A_106 = arith.constant 0 : i32
    %dma_wait3A_107 = tpu.memref_slice %arg6[%dma_wait3A, %dma_wait3A_106] : memref<1664x64xf32, #tpu.memory_space<vmem>> -> memref<128x64xf32, #tpu.memory_space<vmem>>
    %dma_wait3A_108 = arith.constant 0 : i32
    %dma_wait3A_109 = tpu.memref_slice %arg5[%dma_wait3A_108] : memref<3328xi32, #tpu.memory_space<vmem>> -> memref<128xi32, #tpu.memory_space<vmem>>
    %dma_wait3A_110 = arith.constant 0 : i32
    %dma_wait3A_111 = arith.constant 0 : i32
    %dma_wait3A_112 = tpu.memref_slice %arg2[%dma_wait3A_110, %dma_wait3A_111] : memref<260001x64xf32, #tpu.memory_space<hbm>> -> memref<260001x64xf32, #tpu.memory_space<hbm>>
    tpu.wait_indirect_dma semaphore(%arg7 : memref<!tpu.dma_semaphore, #tpu.memory_space<semaphore_mem>>) src(%dma_wait3A_112 : memref<260001x64xf32, #tpu.memory_space<hbm>>) dst(%dma_wait3A_107 : memref<128x64xf32, #tpu.memory_space<vmem>>)
    %dma_wait3A_113 = arith.constant 128 : i32
    %dma_wait3A_114 = arith.constant 0 : i32
    %dma_wait3A_115 = tpu.memref_slice %arg6[%dma_wait3A_113, %dma_wait3A_114] : memref<1664x64xf32, #tpu.memory_space<vmem>> -> memref<128x64xf32, #tpu.memory_space<vmem>>
    %dma_wait3A_116 = arith.constant 128 : i32
    %dma_wait3A_117 = tpu.memref_slice %arg5[%dma_wait3A_116] : memref<3328xi32, #tpu.memory_space<vmem>> -> memref<128xi32, #tpu.memory_space<vmem>>
    %dma_wait3A_118 = arith.constant 0 : i32
    %dma_wait3A_119 = arith.constant 0 : i32
    %dma_wait3A_120 = tpu.memref_slice %arg2[%dma_wait3A_118, %dma_wait3A_119] : memref<260001x64xf32, #tpu.memory_space<hbm>> -> memref<260001x64xf32, #tpu.memory_space<hbm>>
    tpu.wait_indirect_dma semaphore(%arg7 : memref<!tpu.dma_semaphore, #tpu.memory_space<semaphore_mem>>) src(%dma_wait3A_120 : memref<260001x64xf32, #tpu.memory_space<hbm>>) dst(%dma_wait3A_115 : memref<128x64xf32, #tpu.memory_space<vmem>>)
    %dma_wait3A_121 = arith.constant 256 : i32
    %dma_wait3A_122 = arith.constant 0 : i32
    %dma_wait3A_123 = tpu.memref_slice %arg6[%dma_wait3A_121, %dma_wait3A_122] : memref<1664x64xf32, #tpu.memory_space<vmem>> -> memref<128x64xf32, #tpu.memory_space<vmem>>
    %dma_wait3A_124 = arith.constant 256 : i32
    %dma_wait3A_125 = tpu.memref_slice %arg5[%dma_wait3A_124] : memref<3328xi32, #tpu.memory_space<vmem>> -> memref<128xi32, #tpu.memory_space<vmem>>
    %dma_wait3A_126 = arith.constant 0 : i32
    %dma_wait3A_127 = arith.constant 0 : i32
    %dma_wait3A_128 = tpu.memref_slice %arg2[%dma_wait3A_126, %dma_wait3A_127] : memref<260001x64xf32, #tpu.memory_space<hbm>> -> memref<260001x64xf32, #tpu.memory_space<hbm>>
    tpu.wait_indirect_dma semaphore(%arg7 : memref<!tpu.dma_semaphore, #tpu.memory_space<semaphore_mem>>) src(%dma_wait3A_128 : memref<260001x64xf32, #tpu.memory_space<hbm>>) dst(%dma_wait3A_123 : memref<128x64xf32, #tpu.memory_space<vmem>>)
    %dma_wait3A_129 = arith.constant 384 : i32
    %dma_wait3A_130 = arith.constant 0 : i32
    %dma_wait3A_131 = tpu.memref_slice %arg6[%dma_wait3A_129, %dma_wait3A_130] : memref<1664x64xf32, #tpu.memory_space<vmem>> -> memref<128x64xf32, #tpu.memory_space<vmem>>
    %dma_wait3A_132 = arith.constant 384 : i32
    %dma_wait3A_133 = tpu.memref_slice %arg5[%dma_wait3A_132] : memref<3328xi32, #tpu.memory_space<vmem>> -> memref<128xi32, #tpu.memory_space<vmem>>
    %dma_wait3A_134 = arith.constant 0 : i32
    %dma_wait3A_135 = arith.constant 0 : i32
    %dma_wait3A_136 = tpu.memref_slice %arg2[%dma_wait3A_134, %dma_wait3A_135] : memref<260001x64xf32, #tpu.memory_space<hbm>> -> memref<260001x64xf32, #tpu.memory_space<hbm>>
    tpu.wait_indirect_dma semaphore(%arg7 : memref<!tpu.dma_semaphore, #tpu.memory_space<semaphore_mem>>) src(%dma_wait3A_136 : memref<260001x64xf32, #tpu.memory_space<hbm>>) dst(%dma_wait3A_131 : memref<128x64xf32, #tpu.memory_space<vmem>>)
    %dma_wait3A_137 = arith.constant 512 : i32
    %dma_wait3A_138 = arith.constant 0 : i32
    %dma_wait3A_139 = tpu.memref_slice %arg6[%dma_wait3A_137, %dma_wait3A_138] : memref<1664x64xf32, #tpu.memory_space<vmem>> -> memref<128x64xf32, #tpu.memory_space<vmem>>
    %dma_wait3A_140 = arith.constant 512 : i32
    %dma_wait3A_141 = tpu.memref_slice %arg5[%dma_wait3A_140] : memref<3328xi32, #tpu.memory_space<vmem>> -> memref<128xi32, #tpu.memory_space<vmem>>
    %dma_wait3A_142 = arith.constant 0 : i32
    %dma_wait3A_143 = arith.constant 0 : i32
    %dma_wait3A_144 = tpu.memref_slice %arg2[%dma_wait3A_142, %dma_wait3A_143] : memref<260001x64xf32, #tpu.memory_space<hbm>> -> memref<260001x64xf32, #tpu.memory_space<hbm>>
    tpu.wait_indirect_dma semaphore(%arg7 : memref<!tpu.dma_semaphore, #tpu.memory_space<semaphore_mem>>) src(%dma_wait3A_144 : memref<260001x64xf32, #tpu.memory_space<hbm>>) dst(%dma_wait3A_139 : memref<128x64xf32, #tpu.memory_space<vmem>>)
    %dma_wait3A_145 = arith.constant 640 : i32
    %dma_wait3A_146 = arith.constant 0 : i32
    %dma_wait3A_147 = tpu.memref_slice %arg6[%dma_wait3A_145, %dma_wait3A_146] : memref<1664x64xf32, #tpu.memory_space<vmem>> -> memref<128x64xf32, #tpu.memory_space<vmem>>
    %dma_wait3A_148 = arith.constant 640 : i32
    %dma_wait3A_149 = tpu.memref_slice %arg5[%dma_wait3A_148] : memref<3328xi32, #tpu.memory_space<vmem>> -> memref<128xi32, #tpu.memory_space<vmem>>
    %dma_wait3A_150 = arith.constant 0 : i32
    %dma_wait3A_151 = arith.constant 0 : i32
    %dma_wait3A_152 = tpu.memref_slice %arg2[%dma_wait3A_150, %dma_wait3A_151] : memref<260001x64xf32, #tpu.memory_space<hbm>> -> memref<260001x64xf32, #tpu.memory_space<hbm>>
    tpu.wait_indirect_dma semaphore(%arg7 : memref<!tpu.dma_semaphore, #tpu.memory_space<semaphore_mem>>) src(%dma_wait3A_152 : memref<260001x64xf32, #tpu.memory_space<hbm>>) dst(%dma_wait3A_147 : memref<128x64xf32, #tpu.memory_space<vmem>>)
    %dma_wait3A_153 = arith.constant 768 : i32
    %dma_wait3A_154 = arith.constant 0 : i32
    %dma_wait3A_155 = tpu.memref_slice %arg6[%dma_wait3A_153, %dma_wait3A_154] : memref<1664x64xf32, #tpu.memory_space<vmem>> -> memref<128x64xf32, #tpu.memory_space<vmem>>
    %dma_wait3A_156 = arith.constant 768 : i32
    %dma_wait3A_157 = tpu.memref_slice %arg5[%dma_wait3A_156] : memref<3328xi32, #tpu.memory_space<vmem>> -> memref<128xi32, #tpu.memory_space<vmem>>
    %dma_wait3A_158 = arith.constant 0 : i32
    %dma_wait3A_159 = arith.constant 0 : i32
    %dma_wait3A_160 = tpu.memref_slice %arg2[%dma_wait3A_158, %dma_wait3A_159] : memref<260001x64xf32, #tpu.memory_space<hbm>> -> memref<260001x64xf32, #tpu.memory_space<hbm>>
    tpu.wait_indirect_dma semaphore(%arg7 : memref<!tpu.dma_semaphore, #tpu.memory_space<semaphore_mem>>) src(%dma_wait3A_160 : memref<260001x64xf32, #tpu.memory_space<hbm>>) dst(%dma_wait3A_155 : memref<128x64xf32, #tpu.memory_space<vmem>>)
    %dma_wait3A_161 = arith.constant 896 : i32
    %dma_wait3A_162 = arith.constant 0 : i32
    %dma_wait3A_163 = tpu.memref_slice %arg6[%dma_wait3A_161, %dma_wait3A_162] : memref<1664x64xf32, #tpu.memory_space<vmem>> -> memref<128x64xf32, #tpu.memory_space<vmem>>
    %dma_wait3A_164 = arith.constant 896 : i32
    %dma_wait3A_165 = tpu.memref_slice %arg5[%dma_wait3A_164] : memref<3328xi32, #tpu.memory_space<vmem>> -> memref<128xi32, #tpu.memory_space<vmem>>
    %dma_wait3A_166 = arith.constant 0 : i32
    %dma_wait3A_167 = arith.constant 0 : i32
    %dma_wait3A_168 = tpu.memref_slice %arg2[%dma_wait3A_166, %dma_wait3A_167] : memref<260001x64xf32, #tpu.memory_space<hbm>> -> memref<260001x64xf32, #tpu.memory_space<hbm>>
    tpu.wait_indirect_dma semaphore(%arg7 : memref<!tpu.dma_semaphore, #tpu.memory_space<semaphore_mem>>) src(%dma_wait3A_168 : memref<260001x64xf32, #tpu.memory_space<hbm>>) dst(%dma_wait3A_163 : memref<128x64xf32, #tpu.memory_space<vmem>>)
    %dma_wait3A_169 = arith.constant 1024 : i32
    %dma_wait3A_170 = arith.constant 0 : i32
    %dma_wait3A_171 = tpu.memref_slice %arg6[%dma_wait3A_169, %dma_wait3A_170] : memref<1664x64xf32, #tpu.memory_space<vmem>> -> memref<128x64xf32, #tpu.memory_space<vmem>>
    %dma_wait3A_172 = arith.constant 1024 : i32
    %dma_wait3A_173 = tpu.memref_slice %arg5[%dma_wait3A_172] : memref<3328xi32, #tpu.memory_space<vmem>> -> memref<128xi32, #tpu.memory_space<vmem>>
    %dma_wait3A_174 = arith.constant 0 : i32
    %dma_wait3A_175 = arith.constant 0 : i32
    %dma_wait3A_176 = tpu.memref_slice %arg2[%dma_wait3A_174, %dma_wait3A_175] : memref<260001x64xf32, #tpu.memory_space<hbm>> -> memref<260001x64xf32, #tpu.memory_space<hbm>>
    tpu.wait_indirect_dma semaphore(%arg7 : memref<!tpu.dma_semaphore, #tpu.memory_space<semaphore_mem>>) src(%dma_wait3A_176 : memref<260001x64xf32, #tpu.memory_space<hbm>>) dst(%dma_wait3A_171 : memref<128x64xf32, #tpu.memory_space<vmem>>)
    %dma_wait3A_177 = arith.constant 1152 : i32
    %dma_wait3A_178 = arith.constant 0 : i32
    %dma_wait3A_179 = tpu.memref_slice %arg6[%dma_wait3A_177, %dma_wait3A_178] : memref<1664x64xf32, #tpu.memory_space<vmem>> -> memref<128x64xf32, #tpu.memory_space<vmem>>
    %dma_wait3A_180 = arith.constant 1152 : i32
    %dma_wait3A_181 = tpu.memref_slice %arg5[%dma_wait3A_180] : memref<3328xi32, #tpu.memory_space<vmem>> -> memref<128xi32, #tpu.memory_space<vmem>>
    %dma_wait3A_182 = arith.constant 0 : i32
    %dma_wait3A_183 = arith.constant 0 : i32
    %dma_wait3A_184 = tpu.memref_slice %arg2[%dma_wait3A_182, %dma_wait3A_183] : memref<260001x64xf32, #tpu.memory_space<hbm>> -> memref<260001x64xf32, #tpu.memory_space<hbm>>
    tpu.wait_indirect_dma semaphore(%arg7 : memref<!tpu.dma_semaphore, #tpu.memory_space<semaphore_mem>>) src(%dma_wait3A_184 : memref<260001x64xf32, #tpu.memory_space<hbm>>) dst(%dma_wait3A_179 : memref<128x64xf32, #tpu.memory_space<vmem>>)
    %dma_wait3A_185 = arith.constant 1280 : i32
    %dma_wait3A_186 = arith.constant 0 : i32
    %dma_wait3A_187 = tpu.memref_slice %arg6[%dma_wait3A_185, %dma_wait3A_186] : memref<1664x64xf32, #tpu.memory_space<vmem>> -> memref<128x64xf32, #tpu.memory_space<vmem>>
    %dma_wait3A_188 = arith.constant 1280 : i32
    %dma_wait3A_189 = tpu.memref_slice %arg5[%dma_wait3A_188] : memref<3328xi32, #tpu.memory_space<vmem>> -> memref<128xi32, #tpu.memory_space<vmem>>
    %dma_wait3A_190 = arith.constant 0 : i32
    %dma_wait3A_191 = arith.constant 0 : i32
    %dma_wait3A_192 = tpu.memref_slice %arg2[%dma_wait3A_190, %dma_wait3A_191] : memref<260001x64xf32, #tpu.memory_space<hbm>> -> memref<260001x64xf32, #tpu.memory_space<hbm>>
    tpu.wait_indirect_dma semaphore(%arg7 : memref<!tpu.dma_semaphore, #tpu.memory_space<semaphore_mem>>) src(%dma_wait3A_192 : memref<260001x64xf32, #tpu.memory_space<hbm>>) dst(%dma_wait3A_187 : memref<128x64xf32, #tpu.memory_space<vmem>>)
    %dma_wait3A_193 = arith.constant 1408 : i32
    %dma_wait3A_194 = arith.constant 0 : i32
    %dma_wait3A_195 = tpu.memref_slice %arg6[%dma_wait3A_193, %dma_wait3A_194] : memref<1664x64xf32, #tpu.memory_space<vmem>> -> memref<128x64xf32, #tpu.memory_space<vmem>>
    %dma_wait3A_196 = arith.constant 1408 : i32
    %dma_wait3A_197 = tpu.memref_slice %arg5[%dma_wait3A_196] : memref<3328xi32, #tpu.memory_space<vmem>> -> memref<128xi32, #tpu.memory_space<vmem>>
    %dma_wait3A_198 = arith.constant 0 : i32
    %dma_wait3A_199 = arith.constant 0 : i32
    %dma_wait3A_200 = tpu.memref_slice %arg2[%dma_wait3A_198, %dma_wait3A_199] : memref<260001x64xf32, #tpu.memory_space<hbm>> -> memref<260001x64xf32, #tpu.memory_space<hbm>>
    tpu.wait_indirect_dma semaphore(%arg7 : memref<!tpu.dma_semaphore, #tpu.memory_space<semaphore_mem>>) src(%dma_wait3A_200 : memref<260001x64xf32, #tpu.memory_space<hbm>>) dst(%dma_wait3A_195 : memref<128x64xf32, #tpu.memory_space<vmem>>)
    %dma_wait3A_201 = arith.constant 1536 : i32
    %dma_wait3A_202 = arith.constant 0 : i32
    %dma_wait3A_203 = tpu.memref_slice %arg6[%dma_wait3A_201, %dma_wait3A_202] : memref<1664x64xf32, #tpu.memory_space<vmem>> -> memref<128x64xf32, #tpu.memory_space<vmem>>
    %dma_wait3A_204 = arith.constant 1536 : i32
    %dma_wait3A_205 = tpu.memref_slice %arg5[%dma_wait3A_204] : memref<3328xi32, #tpu.memory_space<vmem>> -> memref<128xi32, #tpu.memory_space<vmem>>
    %dma_wait3A_206 = arith.constant 0 : i32
    %dma_wait3A_207 = arith.constant 0 : i32
    %dma_wait3A_208 = tpu.memref_slice %arg2[%dma_wait3A_206, %dma_wait3A_207] : memref<260001x64xf32, #tpu.memory_space<hbm>> -> memref<260001x64xf32, #tpu.memory_space<hbm>>
    tpu.wait_indirect_dma semaphore(%arg7 : memref<!tpu.dma_semaphore, #tpu.memory_space<semaphore_mem>>) src(%dma_wait3A_208 : memref<260001x64xf32, #tpu.memory_space<hbm>>) dst(%dma_wait3A_203 : memref<128x64xf32, #tpu.memory_space<vmem>>)
    %add3A_209 = arith.constant 0 : i32
    %add3A_210 = arith.addi %mul3A_2, %add3A_209 : i32
    "tpu.region"() ({
      %run_scoped3A = tpu.sem_alloc : memref<!tpu.dma_semaphore, #tpu.memory_space<semaphore_mem>>
      %dma_start3A_421 = arith.constant 0 : i32
      %dma_start3A_422 = tpu.memref_slice %arg4[%add3A_210, %dma_start3A_421] : memref<106496x64xf32, #tpu.memory_space<hbm>> -> memref<1664x64xf32, #tpu.memory_space<hbm>>
      %dma_start3A_423 = arith.constant 0 : i32
      %dma_start3A_424 = tpu.memref_slice %arg4[%add3A_210, %dma_start3A_423] : memref<106496x64xf32, #tpu.memory_space<hbm>> -> memref<1664x64xf32, #tpu.memory_space<hbm>>
      tpu.enqueue_dma source(%arg6 : memref<1664x64xf32, #tpu.memory_space<vmem>>) target(%dma_start3A_424 : memref<1664x64xf32, #tpu.memory_space<hbm>>) target_semaphore(%run_scoped3A : memref<!tpu.dma_semaphore, #tpu.memory_space<semaphore_mem>>)
      %dma_wait3A_425 = arith.constant 0 : i32
      %dma_wait3A_426 = tpu.memref_slice %arg4[%add3A_210, %dma_wait3A_425] : memref<106496x64xf32, #tpu.memory_space<hbm>> -> memref<1664x64xf32, #tpu.memory_space<hbm>>
      %dma_wait3A_427 = arith.constant 0 : i32
      %dma_wait3A_428 = tpu.memref_slice %arg4[%add3A_210, %dma_wait3A_427] : memref<106496x64xf32, #tpu.memory_space<hbm>> -> memref<1664x64xf32, #tpu.memory_space<hbm>>
      tpu.wait_dma2 semaphore(%run_scoped3A : memref<!tpu.dma_semaphore, #tpu.memory_space<semaphore_mem>>) src(%arg6 : memref<1664x64xf32, #tpu.memory_space<vmem>>) dst(%dma_wait3A_428 : memref<1664x64xf32, #tpu.memory_space<hbm>>)
      tpu.yield
    }) : () -> ()
    %dma_start3A_211 = arith.constant 0 : i32
    %dma_start3A_212 = arith.constant 0 : i32
    %dma_start3A_213 = tpu.memref_slice %arg6[%dma_start3A_211, %dma_start3A_212] : memref<1664x64xf32, #tpu.memory_space<vmem>> -> memref<128x64xf32, #tpu.memory_space<vmem>>
    %dma_start3A_214 = arith.constant 1664 : i32
    %dma_start3A_215 = tpu.memref_slice %arg5[%dma_start3A_214] : memref<3328xi32, #tpu.memory_space<vmem>> -> memref<128xi32, #tpu.memory_space<vmem>>
    %dma_start3A_216 = arith.constant 0 : i32
    %dma_start3A_217 = arith.constant 0 : i32
    %dma_start3A_218 = tpu.memref_slice %arg2[%dma_start3A_216, %dma_start3A_217] : memref<260001x64xf32, #tpu.memory_space<hbm>> -> memref<260001x64xf32, #tpu.memory_space<hbm>>
    tpu.enqueue_indirect_dma source(%dma_start3A_218 : memref<260001x64xf32, #tpu.memory_space<hbm>>) target(%dma_start3A_213 : memref<128x64xf32, #tpu.memory_space<vmem>>) offsets(%dma_start3A_215 : memref<128xi32, #tpu.memory_space<vmem>>) semaphore(%arg7 : memref<!tpu.dma_semaphore, #tpu.memory_space<semaphore_mem>>)
    %dma_start3A_219 = arith.constant 128 : i32
    %dma_start3A_220 = arith.constant 0 : i32
    %dma_start3A_221 = tpu.memref_slice %arg6[%dma_start3A_219, %dma_start3A_220] : memref<1664x64xf32, #tpu.memory_space<vmem>> -> memref<128x64xf32, #tpu.memory_space<vmem>>
    %dma_start3A_222 = arith.constant 1792 : i32
    %dma_start3A_223 = tpu.memref_slice %arg5[%dma_start3A_222] : memref<3328xi32, #tpu.memory_space<vmem>> -> memref<128xi32, #tpu.memory_space<vmem>>
    %dma_start3A_224 = arith.constant 0 : i32
    %dma_start3A_225 = arith.constant 0 : i32
    %dma_start3A_226 = tpu.memref_slice %arg2[%dma_start3A_224, %dma_start3A_225] : memref<260001x64xf32, #tpu.memory_space<hbm>> -> memref<260001x64xf32, #tpu.memory_space<hbm>>
    tpu.enqueue_indirect_dma source(%dma_start3A_226 : memref<260001x64xf32, #tpu.memory_space<hbm>>) target(%dma_start3A_221 : memref<128x64xf32, #tpu.memory_space<vmem>>) offsets(%dma_start3A_223 : memref<128xi32, #tpu.memory_space<vmem>>) semaphore(%arg7 : memref<!tpu.dma_semaphore, #tpu.memory_space<semaphore_mem>>)
    %dma_start3A_227 = arith.constant 256 : i32
    %dma_start3A_228 = arith.constant 0 : i32
    %dma_start3A_229 = tpu.memref_slice %arg6[%dma_start3A_227, %dma_start3A_228] : memref<1664x64xf32, #tpu.memory_space<vmem>> -> memref<128x64xf32, #tpu.memory_space<vmem>>
    %dma_start3A_230 = arith.constant 1920 : i32
    %dma_start3A_231 = tpu.memref_slice %arg5[%dma_start3A_230] : memref<3328xi32, #tpu.memory_space<vmem>> -> memref<128xi32, #tpu.memory_space<vmem>>
    %dma_start3A_232 = arith.constant 0 : i32
    %dma_start3A_233 = arith.constant 0 : i32
    %dma_start3A_234 = tpu.memref_slice %arg2[%dma_start3A_232, %dma_start3A_233] : memref<260001x64xf32, #tpu.memory_space<hbm>> -> memref<260001x64xf32, #tpu.memory_space<hbm>>
    tpu.enqueue_indirect_dma source(%dma_start3A_234 : memref<260001x64xf32, #tpu.memory_space<hbm>>) target(%dma_start3A_229 : memref<128x64xf32, #tpu.memory_space<vmem>>) offsets(%dma_start3A_231 : memref<128xi32, #tpu.memory_space<vmem>>) semaphore(%arg7 : memref<!tpu.dma_semaphore, #tpu.memory_space<semaphore_mem>>)
    %dma_start3A_235 = arith.constant 384 : i32
    %dma_start3A_236 = arith.constant 0 : i32
    %dma_start3A_237 = tpu.memref_slice %arg6[%dma_start3A_235, %dma_start3A_236] : memref<1664x64xf32, #tpu.memory_space<vmem>> -> memref<128x64xf32, #tpu.memory_space<vmem>>
    %dma_start3A_238 = arith.constant 2048 : i32
    %dma_start3A_239 = tpu.memref_slice %arg5[%dma_start3A_238] : memref<3328xi32, #tpu.memory_space<vmem>> -> memref<128xi32, #tpu.memory_space<vmem>>
    %dma_start3A_240 = arith.constant 0 : i32
    %dma_start3A_241 = arith.constant 0 : i32
    %dma_start3A_242 = tpu.memref_slice %arg2[%dma_start3A_240, %dma_start3A_241] : memref<260001x64xf32, #tpu.memory_space<hbm>> -> memref<260001x64xf32, #tpu.memory_space<hbm>>
    tpu.enqueue_indirect_dma source(%dma_start3A_242 : memref<260001x64xf32, #tpu.memory_space<hbm>>) target(%dma_start3A_237 : memref<128x64xf32, #tpu.memory_space<vmem>>) offsets(%dma_start3A_239 : memref<128xi32, #tpu.memory_space<vmem>>) semaphore(%arg7 : memref<!tpu.dma_semaphore, #tpu.memory_space<semaphore_mem>>)
    %dma_start3A_243 = arith.constant 512 : i32
    %dma_start3A_244 = arith.constant 0 : i32
    %dma_start3A_245 = tpu.memref_slice %arg6[%dma_start3A_243, %dma_start3A_244] : memref<1664x64xf32, #tpu.memory_space<vmem>> -> memref<128x64xf32, #tpu.memory_space<vmem>>
    %dma_start3A_246 = arith.constant 2176 : i32
    %dma_start3A_247 = tpu.memref_slice %arg5[%dma_start3A_246] : memref<3328xi32, #tpu.memory_space<vmem>> -> memref<128xi32, #tpu.memory_space<vmem>>
    %dma_start3A_248 = arith.constant 0 : i32
    %dma_start3A_249 = arith.constant 0 : i32
    %dma_start3A_250 = tpu.memref_slice %arg2[%dma_start3A_248, %dma_start3A_249] : memref<260001x64xf32, #tpu.memory_space<hbm>> -> memref<260001x64xf32, #tpu.memory_space<hbm>>
    tpu.enqueue_indirect_dma source(%dma_start3A_250 : memref<260001x64xf32, #tpu.memory_space<hbm>>) target(%dma_start3A_245 : memref<128x64xf32, #tpu.memory_space<vmem>>) offsets(%dma_start3A_247 : memref<128xi32, #tpu.memory_space<vmem>>) semaphore(%arg7 : memref<!tpu.dma_semaphore, #tpu.memory_space<semaphore_mem>>)
    %dma_start3A_251 = arith.constant 640 : i32
    %dma_start3A_252 = arith.constant 0 : i32
    %dma_start3A_253 = tpu.memref_slice %arg6[%dma_start3A_251, %dma_start3A_252] : memref<1664x64xf32, #tpu.memory_space<vmem>> -> memref<128x64xf32, #tpu.memory_space<vmem>>
    %dma_start3A_254 = arith.constant 2304 : i32
    %dma_start3A_255 = tpu.memref_slice %arg5[%dma_start3A_254] : memref<3328xi32, #tpu.memory_space<vmem>> -> memref<128xi32, #tpu.memory_space<vmem>>
    %dma_start3A_256 = arith.constant 0 : i32
    %dma_start3A_257 = arith.constant 0 : i32
    %dma_start3A_258 = tpu.memref_slice %arg2[%dma_start3A_256, %dma_start3A_257] : memref<260001x64xf32, #tpu.memory_space<hbm>> -> memref<260001x64xf32, #tpu.memory_space<hbm>>
    tpu.enqueue_indirect_dma source(%dma_start3A_258 : memref<260001x64xf32, #tpu.memory_space<hbm>>) target(%dma_start3A_253 : memref<128x64xf32, #tpu.memory_space<vmem>>) offsets(%dma_start3A_255 : memref<128xi32, #tpu.memory_space<vmem>>) semaphore(%arg7 : memref<!tpu.dma_semaphore, #tpu.memory_space<semaphore_mem>>)
    %dma_start3A_259 = arith.constant 768 : i32
    %dma_start3A_260 = arith.constant 0 : i32
    %dma_start3A_261 = tpu.memref_slice %arg6[%dma_start3A_259, %dma_start3A_260] : memref<1664x64xf32, #tpu.memory_space<vmem>> -> memref<128x64xf32, #tpu.memory_space<vmem>>
    %dma_start3A_262 = arith.constant 2432 : i32
    %dma_start3A_263 = tpu.memref_slice %arg5[%dma_start3A_262] : memref<3328xi32, #tpu.memory_space<vmem>> -> memref<128xi32, #tpu.memory_space<vmem>>
    %dma_start3A_264 = arith.constant 0 : i32
    %dma_start3A_265 = arith.constant 0 : i32
    %dma_start3A_266 = tpu.memref_slice %arg2[%dma_start3A_264, %dma_start3A_265] : memref<260001x64xf32, #tpu.memory_space<hbm>> -> memref<260001x64xf32, #tpu.memory_space<hbm>>
    tpu.enqueue_indirect_dma source(%dma_start3A_266 : memref<260001x64xf32, #tpu.memory_space<hbm>>) target(%dma_start3A_261 : memref<128x64xf32, #tpu.memory_space<vmem>>) offsets(%dma_start3A_263 : memref<128xi32, #tpu.memory_space<vmem>>) semaphore(%arg7 : memref<!tpu.dma_semaphore, #tpu.memory_space<semaphore_mem>>)
    %dma_start3A_267 = arith.constant 896 : i32
    %dma_start3A_268 = arith.constant 0 : i32
    %dma_start3A_269 = tpu.memref_slice %arg6[%dma_start3A_267, %dma_start3A_268] : memref<1664x64xf32, #tpu.memory_space<vmem>> -> memref<128x64xf32, #tpu.memory_space<vmem>>
    %dma_start3A_270 = arith.constant 2560 : i32
    %dma_start3A_271 = tpu.memref_slice %arg5[%dma_start3A_270] : memref<3328xi32, #tpu.memory_space<vmem>> -> memref<128xi32, #tpu.memory_space<vmem>>
    %dma_start3A_272 = arith.constant 0 : i32
    %dma_start3A_273 = arith.constant 0 : i32
    %dma_start3A_274 = tpu.memref_slice %arg2[%dma_start3A_272, %dma_start3A_273] : memref<260001x64xf32, #tpu.memory_space<hbm>> -> memref<260001x64xf32, #tpu.memory_space<hbm>>
    tpu.enqueue_indirect_dma source(%dma_start3A_274 : memref<260001x64xf32, #tpu.memory_space<hbm>>) target(%dma_start3A_269 : memref<128x64xf32, #tpu.memory_space<vmem>>) offsets(%dma_start3A_271 : memref<128xi32, #tpu.memory_space<vmem>>) semaphore(%arg7 : memref<!tpu.dma_semaphore, #tpu.memory_space<semaphore_mem>>)
    %dma_start3A_275 = arith.constant 1024 : i32
    %dma_start3A_276 = arith.constant 0 : i32
    %dma_start3A_277 = tpu.memref_slice %arg6[%dma_start3A_275, %dma_start3A_276] : memref<1664x64xf32, #tpu.memory_space<vmem>> -> memref<128x64xf32, #tpu.memory_space<vmem>>
    %dma_start3A_278 = arith.constant 2688 : i32
    %dma_start3A_279 = tpu.memref_slice %arg5[%dma_start3A_278] : memref<3328xi32, #tpu.memory_space<vmem>> -> memref<128xi32, #tpu.memory_space<vmem>>
    %dma_start3A_280 = arith.constant 0 : i32
    %dma_start3A_281 = arith.constant 0 : i32
    %dma_start3A_282 = tpu.memref_slice %arg2[%dma_start3A_280, %dma_start3A_281] : memref<260001x64xf32, #tpu.memory_space<hbm>> -> memref<260001x64xf32, #tpu.memory_space<hbm>>
    tpu.enqueue_indirect_dma source(%dma_start3A_282 : memref<260001x64xf32, #tpu.memory_space<hbm>>) target(%dma_start3A_277 : memref<128x64xf32, #tpu.memory_space<vmem>>) offsets(%dma_start3A_279 : memref<128xi32, #tpu.memory_space<vmem>>) semaphore(%arg7 : memref<!tpu.dma_semaphore, #tpu.memory_space<semaphore_mem>>)
    %dma_start3A_283 = arith.constant 1152 : i32
    %dma_start3A_284 = arith.constant 0 : i32
    %dma_start3A_285 = tpu.memref_slice %arg6[%dma_start3A_283, %dma_start3A_284] : memref<1664x64xf32, #tpu.memory_space<vmem>> -> memref<128x64xf32, #tpu.memory_space<vmem>>
    %dma_start3A_286 = arith.constant 2816 : i32
    %dma_start3A_287 = tpu.memref_slice %arg5[%dma_start3A_286] : memref<3328xi32, #tpu.memory_space<vmem>> -> memref<128xi32, #tpu.memory_space<vmem>>
    %dma_start3A_288 = arith.constant 0 : i32
    %dma_start3A_289 = arith.constant 0 : i32
    %dma_start3A_290 = tpu.memref_slice %arg2[%dma_start3A_288, %dma_start3A_289] : memref<260001x64xf32, #tpu.memory_space<hbm>> -> memref<260001x64xf32, #tpu.memory_space<hbm>>
    tpu.enqueue_indirect_dma source(%dma_start3A_290 : memref<260001x64xf32, #tpu.memory_space<hbm>>) target(%dma_start3A_285 : memref<128x64xf32, #tpu.memory_space<vmem>>) offsets(%dma_start3A_287 : memref<128xi32, #tpu.memory_space<vmem>>) semaphore(%arg7 : memref<!tpu.dma_semaphore, #tpu.memory_space<semaphore_mem>>)
    %dma_start3A_291 = arith.constant 1280 : i32
    %dma_start3A_292 = arith.constant 0 : i32
    %dma_start3A_293 = tpu.memref_slice %arg6[%dma_start3A_291, %dma_start3A_292] : memref<1664x64xf32, #tpu.memory_space<vmem>> -> memref<128x64xf32, #tpu.memory_space<vmem>>
    %dma_start3A_294 = arith.constant 2944 : i32
    %dma_start3A_295 = tpu.memref_slice %arg5[%dma_start3A_294] : memref<3328xi32, #tpu.memory_space<vmem>> -> memref<128xi32, #tpu.memory_space<vmem>>
    %dma_start3A_296 = arith.constant 0 : i32
    %dma_start3A_297 = arith.constant 0 : i32
    %dma_start3A_298 = tpu.memref_slice %arg2[%dma_start3A_296, %dma_start3A_297] : memref<260001x64xf32, #tpu.memory_space<hbm>> -> memref<260001x64xf32, #tpu.memory_space<hbm>>
    tpu.enqueue_indirect_dma source(%dma_start3A_298 : memref<260001x64xf32, #tpu.memory_space<hbm>>) target(%dma_start3A_293 : memref<128x64xf32, #tpu.memory_space<vmem>>) offsets(%dma_start3A_295 : memref<128xi32, #tpu.memory_space<vmem>>) semaphore(%arg7 : memref<!tpu.dma_semaphore, #tpu.memory_space<semaphore_mem>>)
    %dma_start3A_299 = arith.constant 1408 : i32
    %dma_start3A_300 = arith.constant 0 : i32
    %dma_start3A_301 = tpu.memref_slice %arg6[%dma_start3A_299, %dma_start3A_300] : memref<1664x64xf32, #tpu.memory_space<vmem>> -> memref<128x64xf32, #tpu.memory_space<vmem>>
    %dma_start3A_302 = arith.constant 3072 : i32
    %dma_start3A_303 = tpu.memref_slice %arg5[%dma_start3A_302] : memref<3328xi32, #tpu.memory_space<vmem>> -> memref<128xi32, #tpu.memory_space<vmem>>
    %dma_start3A_304 = arith.constant 0 : i32
    %dma_start3A_305 = arith.constant 0 : i32
    %dma_start3A_306 = tpu.memref_slice %arg2[%dma_start3A_304, %dma_start3A_305] : memref<260001x64xf32, #tpu.memory_space<hbm>> -> memref<260001x64xf32, #tpu.memory_space<hbm>>
    tpu.enqueue_indirect_dma source(%dma_start3A_306 : memref<260001x64xf32, #tpu.memory_space<hbm>>) target(%dma_start3A_301 : memref<128x64xf32, #tpu.memory_space<vmem>>) offsets(%dma_start3A_303 : memref<128xi32, #tpu.memory_space<vmem>>) semaphore(%arg7 : memref<!tpu.dma_semaphore, #tpu.memory_space<semaphore_mem>>)
    %dma_start3A_307 = arith.constant 1536 : i32
    %dma_start3A_308 = arith.constant 0 : i32
    %dma_start3A_309 = tpu.memref_slice %arg6[%dma_start3A_307, %dma_start3A_308] : memref<1664x64xf32, #tpu.memory_space<vmem>> -> memref<128x64xf32, #tpu.memory_space<vmem>>
    %dma_start3A_310 = arith.constant 3200 : i32
    %dma_start3A_311 = tpu.memref_slice %arg5[%dma_start3A_310] : memref<3328xi32, #tpu.memory_space<vmem>> -> memref<128xi32, #tpu.memory_space<vmem>>
    %dma_start3A_312 = arith.constant 0 : i32
    %dma_start3A_313 = arith.constant 0 : i32
    %dma_start3A_314 = tpu.memref_slice %arg2[%dma_start3A_312, %dma_start3A_313] : memref<260001x64xf32, #tpu.memory_space<hbm>> -> memref<260001x64xf32, #tpu.memory_space<hbm>>
    tpu.enqueue_indirect_dma source(%dma_start3A_314 : memref<260001x64xf32, #tpu.memory_space<hbm>>) target(%dma_start3A_309 : memref<128x64xf32, #tpu.memory_space<vmem>>) offsets(%dma_start3A_311 : memref<128xi32, #tpu.memory_space<vmem>>) semaphore(%arg7 : memref<!tpu.dma_semaphore, #tpu.memory_space<semaphore_mem>>)
    %dma_wait3A_315 = arith.constant 0 : i32
    %dma_wait3A_316 = arith.constant 0 : i32
    %dma_wait3A_317 = tpu.memref_slice %arg6[%dma_wait3A_315, %dma_wait3A_316] : memref<1664x64xf32, #tpu.memory_space<vmem>> -> memref<128x64xf32, #tpu.memory_space<vmem>>
    %dma_wait3A_318 = arith.constant 1664 : i32
    %dma_wait3A_319 = tpu.memref_slice %arg5[%dma_wait3A_318] : memref<3328xi32, #tpu.memory_space<vmem>> -> memref<128xi32, #tpu.memory_space<vmem>>
    %dma_wait3A_320 = arith.constant 0 : i32
    %dma_wait3A_321 = arith.constant 0 : i32
    %dma_wait3A_322 = tpu.memref_slice %arg2[%dma_wait3A_320, %dma_wait3A_321] : memref<260001x64xf32, #tpu.memory_space<hbm>> -> memref<260001x64xf32, #tpu.memory_space<hbm>>
    tpu.wait_indirect_dma semaphore(%arg7 : memref<!tpu.dma_semaphore, #tpu.memory_space<semaphore_mem>>) src(%dma_wait3A_322 : memref<260001x64xf32, #tpu.memory_space<hbm>>) dst(%dma_wait3A_317 : memref<128x64xf32, #tpu.memory_space<vmem>>)
    %dma_wait3A_323 = arith.constant 128 : i32
    %dma_wait3A_324 = arith.constant 0 : i32
    %dma_wait3A_325 = tpu.memref_slice %arg6[%dma_wait3A_323, %dma_wait3A_324] : memref<1664x64xf32, #tpu.memory_space<vmem>> -> memref<128x64xf32, #tpu.memory_space<vmem>>
    %dma_wait3A_326 = arith.constant 1792 : i32
    %dma_wait3A_327 = tpu.memref_slice %arg5[%dma_wait3A_326] : memref<3328xi32, #tpu.memory_space<vmem>> -> memref<128xi32, #tpu.memory_space<vmem>>
    %dma_wait3A_328 = arith.constant 0 : i32
    %dma_wait3A_329 = arith.constant 0 : i32
    %dma_wait3A_330 = tpu.memref_slice %arg2[%dma_wait3A_328, %dma_wait3A_329] : memref<260001x64xf32, #tpu.memory_space<hbm>> -> memref<260001x64xf32, #tpu.memory_space<hbm>>
    tpu.wait_indirect_dma semaphore(%arg7 : memref<!tpu.dma_semaphore, #tpu.memory_space<semaphore_mem>>) src(%dma_wait3A_330 : memref<260001x64xf32, #tpu.memory_space<hbm>>) dst(%dma_wait3A_325 : memref<128x64xf32, #tpu.memory_space<vmem>>)
    %dma_wait3A_331 = arith.constant 256 : i32
    %dma_wait3A_332 = arith.constant 0 : i32
    %dma_wait3A_333 = tpu.memref_slice %arg6[%dma_wait3A_331, %dma_wait3A_332] : memref<1664x64xf32, #tpu.memory_space<vmem>> -> memref<128x64xf32, #tpu.memory_space<vmem>>
    %dma_wait3A_334 = arith.constant 1920 : i32
    %dma_wait3A_335 = tpu.memref_slice %arg5[%dma_wait3A_334] : memref<3328xi32, #tpu.memory_space<vmem>> -> memref<128xi32, #tpu.memory_space<vmem>>
    %dma_wait3A_336 = arith.constant 0 : i32
    %dma_wait3A_337 = arith.constant 0 : i32
    %dma_wait3A_338 = tpu.memref_slice %arg2[%dma_wait3A_336, %dma_wait3A_337] : memref<260001x64xf32, #tpu.memory_space<hbm>> -> memref<260001x64xf32, #tpu.memory_space<hbm>>
    tpu.wait_indirect_dma semaphore(%arg7 : memref<!tpu.dma_semaphore, #tpu.memory_space<semaphore_mem>>) src(%dma_wait3A_338 : memref<260001x64xf32, #tpu.memory_space<hbm>>) dst(%dma_wait3A_333 : memref<128x64xf32, #tpu.memory_space<vmem>>)
    %dma_wait3A_339 = arith.constant 384 : i32
    %dma_wait3A_340 = arith.constant 0 : i32
    %dma_wait3A_341 = tpu.memref_slice %arg6[%dma_wait3A_339, %dma_wait3A_340] : memref<1664x64xf32, #tpu.memory_space<vmem>> -> memref<128x64xf32, #tpu.memory_space<vmem>>
    %dma_wait3A_342 = arith.constant 2048 : i32
    %dma_wait3A_343 = tpu.memref_slice %arg5[%dma_wait3A_342] : memref<3328xi32, #tpu.memory_space<vmem>> -> memref<128xi32, #tpu.memory_space<vmem>>
    %dma_wait3A_344 = arith.constant 0 : i32
    %dma_wait3A_345 = arith.constant 0 : i32
    %dma_wait3A_346 = tpu.memref_slice %arg2[%dma_wait3A_344, %dma_wait3A_345] : memref<260001x64xf32, #tpu.memory_space<hbm>> -> memref<260001x64xf32, #tpu.memory_space<hbm>>
    tpu.wait_indirect_dma semaphore(%arg7 : memref<!tpu.dma_semaphore, #tpu.memory_space<semaphore_mem>>) src(%dma_wait3A_346 : memref<260001x64xf32, #tpu.memory_space<hbm>>) dst(%dma_wait3A_341 : memref<128x64xf32, #tpu.memory_space<vmem>>)
    %dma_wait3A_347 = arith.constant 512 : i32
    %dma_wait3A_348 = arith.constant 0 : i32
    %dma_wait3A_349 = tpu.memref_slice %arg6[%dma_wait3A_347, %dma_wait3A_348] : memref<1664x64xf32, #tpu.memory_space<vmem>> -> memref<128x64xf32, #tpu.memory_space<vmem>>
    %dma_wait3A_350 = arith.constant 2176 : i32
    %dma_wait3A_351 = tpu.memref_slice %arg5[%dma_wait3A_350] : memref<3328xi32, #tpu.memory_space<vmem>> -> memref<128xi32, #tpu.memory_space<vmem>>
    %dma_wait3A_352 = arith.constant 0 : i32
    %dma_wait3A_353 = arith.constant 0 : i32
    %dma_wait3A_354 = tpu.memref_slice %arg2[%dma_wait3A_352, %dma_wait3A_353] : memref<260001x64xf32, #tpu.memory_space<hbm>> -> memref<260001x64xf32, #tpu.memory_space<hbm>>
    tpu.wait_indirect_dma semaphore(%arg7 : memref<!tpu.dma_semaphore, #tpu.memory_space<semaphore_mem>>) src(%dma_wait3A_354 : memref<260001x64xf32, #tpu.memory_space<hbm>>) dst(%dma_wait3A_349 : memref<128x64xf32, #tpu.memory_space<vmem>>)
    %dma_wait3A_355 = arith.constant 640 : i32
    %dma_wait3A_356 = arith.constant 0 : i32
    %dma_wait3A_357 = tpu.memref_slice %arg6[%dma_wait3A_355, %dma_wait3A_356] : memref<1664x64xf32, #tpu.memory_space<vmem>> -> memref<128x64xf32, #tpu.memory_space<vmem>>
    %dma_wait3A_358 = arith.constant 2304 : i32
    %dma_wait3A_359 = tpu.memref_slice %arg5[%dma_wait3A_358] : memref<3328xi32, #tpu.memory_space<vmem>> -> memref<128xi32, #tpu.memory_space<vmem>>
    %dma_wait3A_360 = arith.constant 0 : i32
    %dma_wait3A_361 = arith.constant 0 : i32
    %dma_wait3A_362 = tpu.memref_slice %arg2[%dma_wait3A_360, %dma_wait3A_361] : memref<260001x64xf32, #tpu.memory_space<hbm>> -> memref<260001x64xf32, #tpu.memory_space<hbm>>
    tpu.wait_indirect_dma semaphore(%arg7 : memref<!tpu.dma_semaphore, #tpu.memory_space<semaphore_mem>>) src(%dma_wait3A_362 : memref<260001x64xf32, #tpu.memory_space<hbm>>) dst(%dma_wait3A_357 : memref<128x64xf32, #tpu.memory_space<vmem>>)
    %dma_wait3A_363 = arith.constant 768 : i32
    %dma_wait3A_364 = arith.constant 0 : i32
    %dma_wait3A_365 = tpu.memref_slice %arg6[%dma_wait3A_363, %dma_wait3A_364] : memref<1664x64xf32, #tpu.memory_space<vmem>> -> memref<128x64xf32, #tpu.memory_space<vmem>>
    %dma_wait3A_366 = arith.constant 2432 : i32
    %dma_wait3A_367 = tpu.memref_slice %arg5[%dma_wait3A_366] : memref<3328xi32, #tpu.memory_space<vmem>> -> memref<128xi32, #tpu.memory_space<vmem>>
    %dma_wait3A_368 = arith.constant 0 : i32
    %dma_wait3A_369 = arith.constant 0 : i32
    %dma_wait3A_370 = tpu.memref_slice %arg2[%dma_wait3A_368, %dma_wait3A_369] : memref<260001x64xf32, #tpu.memory_space<hbm>> -> memref<260001x64xf32, #tpu.memory_space<hbm>>
    tpu.wait_indirect_dma semaphore(%arg7 : memref<!tpu.dma_semaphore, #tpu.memory_space<semaphore_mem>>) src(%dma_wait3A_370 : memref<260001x64xf32, #tpu.memory_space<hbm>>) dst(%dma_wait3A_365 : memref<128x64xf32, #tpu.memory_space<vmem>>)
    %dma_wait3A_371 = arith.constant 896 : i32
    %dma_wait3A_372 = arith.constant 0 : i32
    %dma_wait3A_373 = tpu.memref_slice %arg6[%dma_wait3A_371, %dma_wait3A_372] : memref<1664x64xf32, #tpu.memory_space<vmem>> -> memref<128x64xf32, #tpu.memory_space<vmem>>
    %dma_wait3A_374 = arith.constant 2560 : i32
    %dma_wait3A_375 = tpu.memref_slice %arg5[%dma_wait3A_374] : memref<3328xi32, #tpu.memory_space<vmem>> -> memref<128xi32, #tpu.memory_space<vmem>>
    %dma_wait3A_376 = arith.constant 0 : i32
    %dma_wait3A_377 = arith.constant 0 : i32
    %dma_wait3A_378 = tpu.memref_slice %arg2[%dma_wait3A_376, %dma_wait3A_377] : memref<260001x64xf32, #tpu.memory_space<hbm>> -> memref<260001x64xf32, #tpu.memory_space<hbm>>
    tpu.wait_indirect_dma semaphore(%arg7 : memref<!tpu.dma_semaphore, #tpu.memory_space<semaphore_mem>>) src(%dma_wait3A_378 : memref<260001x64xf32, #tpu.memory_space<hbm>>) dst(%dma_wait3A_373 : memref<128x64xf32, #tpu.memory_space<vmem>>)
    %dma_wait3A_379 = arith.constant 1024 : i32
    %dma_wait3A_380 = arith.constant 0 : i32
    %dma_wait3A_381 = tpu.memref_slice %arg6[%dma_wait3A_379, %dma_wait3A_380] : memref<1664x64xf32, #tpu.memory_space<vmem>> -> memref<128x64xf32, #tpu.memory_space<vmem>>
    %dma_wait3A_382 = arith.constant 2688 : i32
    %dma_wait3A_383 = tpu.memref_slice %arg5[%dma_wait3A_382] : memref<3328xi32, #tpu.memory_space<vmem>> -> memref<128xi32, #tpu.memory_space<vmem>>
    %dma_wait3A_384 = arith.constant 0 : i32
    %dma_wait3A_385 = arith.constant 0 : i32
    %dma_wait3A_386 = tpu.memref_slice %arg2[%dma_wait3A_384, %dma_wait3A_385] : memref<260001x64xf32, #tpu.memory_space<hbm>> -> memref<260001x64xf32, #tpu.memory_space<hbm>>
    tpu.wait_indirect_dma semaphore(%arg7 : memref<!tpu.dma_semaphore, #tpu.memory_space<semaphore_mem>>) src(%dma_wait3A_386 : memref<260001x64xf32, #tpu.memory_space<hbm>>) dst(%dma_wait3A_381 : memref<128x64xf32, #tpu.memory_space<vmem>>)
    %dma_wait3A_387 = arith.constant 1152 : i32
    %dma_wait3A_388 = arith.constant 0 : i32
    %dma_wait3A_389 = tpu.memref_slice %arg6[%dma_wait3A_387, %dma_wait3A_388] : memref<1664x64xf32, #tpu.memory_space<vmem>> -> memref<128x64xf32, #tpu.memory_space<vmem>>
    %dma_wait3A_390 = arith.constant 2816 : i32
    %dma_wait3A_391 = tpu.memref_slice %arg5[%dma_wait3A_390] : memref<3328xi32, #tpu.memory_space<vmem>> -> memref<128xi32, #tpu.memory_space<vmem>>
    %dma_wait3A_392 = arith.constant 0 : i32
    %dma_wait3A_393 = arith.constant 0 : i32
    %dma_wait3A_394 = tpu.memref_slice %arg2[%dma_wait3A_392, %dma_wait3A_393] : memref<260001x64xf32, #tpu.memory_space<hbm>> -> memref<260001x64xf32, #tpu.memory_space<hbm>>
    tpu.wait_indirect_dma semaphore(%arg7 : memref<!tpu.dma_semaphore, #tpu.memory_space<semaphore_mem>>) src(%dma_wait3A_394 : memref<260001x64xf32, #tpu.memory_space<hbm>>) dst(%dma_wait3A_389 : memref<128x64xf32, #tpu.memory_space<vmem>>)
    %dma_wait3A_395 = arith.constant 1280 : i32
    %dma_wait3A_396 = arith.constant 0 : i32
    %dma_wait3A_397 = tpu.memref_slice %arg6[%dma_wait3A_395, %dma_wait3A_396] : memref<1664x64xf32, #tpu.memory_space<vmem>> -> memref<128x64xf32, #tpu.memory_space<vmem>>
    %dma_wait3A_398 = arith.constant 2944 : i32
    %dma_wait3A_399 = tpu.memref_slice %arg5[%dma_wait3A_398] : memref<3328xi32, #tpu.memory_space<vmem>> -> memref<128xi32, #tpu.memory_space<vmem>>
    %dma_wait3A_400 = arith.constant 0 : i32
    %dma_wait3A_401 = arith.constant 0 : i32
    %dma_wait3A_402 = tpu.memref_slice %arg2[%dma_wait3A_400, %dma_wait3A_401] : memref<260001x64xf32, #tpu.memory_space<hbm>> -> memref<260001x64xf32, #tpu.memory_space<hbm>>
    tpu.wait_indirect_dma semaphore(%arg7 : memref<!tpu.dma_semaphore, #tpu.memory_space<semaphore_mem>>) src(%dma_wait3A_402 : memref<260001x64xf32, #tpu.memory_space<hbm>>) dst(%dma_wait3A_397 : memref<128x64xf32, #tpu.memory_space<vmem>>)
    %dma_wait3A_403 = arith.constant 1408 : i32
    %dma_wait3A_404 = arith.constant 0 : i32
    %dma_wait3A_405 = tpu.memref_slice %arg6[%dma_wait3A_403, %dma_wait3A_404] : memref<1664x64xf32, #tpu.memory_space<vmem>> -> memref<128x64xf32, #tpu.memory_space<vmem>>
    %dma_wait3A_406 = arith.constant 3072 : i32
    %dma_wait3A_407 = tpu.memref_slice %arg5[%dma_wait3A_406] : memref<3328xi32, #tpu.memory_space<vmem>> -> memref<128xi32, #tpu.memory_space<vmem>>
    %dma_wait3A_408 = arith.constant 0 : i32
    %dma_wait3A_409 = arith.constant 0 : i32
    %dma_wait3A_410 = tpu.memref_slice %arg2[%dma_wait3A_408, %dma_wait3A_409] : memref<260001x64xf32, #tpu.memory_space<hbm>> -> memref<260001x64xf32, #tpu.memory_space<hbm>>
    tpu.wait_indirect_dma semaphore(%arg7 : memref<!tpu.dma_semaphore, #tpu.memory_space<semaphore_mem>>) src(%dma_wait3A_410 : memref<260001x64xf32, #tpu.memory_space<hbm>>) dst(%dma_wait3A_405 : memref<128x64xf32, #tpu.memory_space<vmem>>)
    %dma_wait3A_411 = arith.constant 1536 : i32
    %dma_wait3A_412 = arith.constant 0 : i32
    %dma_wait3A_413 = tpu.memref_slice %arg6[%dma_wait3A_411, %dma_wait3A_412] : memref<1664x64xf32, #tpu.memory_space<vmem>> -> memref<128x64xf32, #tpu.memory_space<vmem>>
    %dma_wait3A_414 = arith.constant 3200 : i32
    %dma_wait3A_415 = tpu.memref_slice %arg5[%dma_wait3A_414] : memref<3328xi32, #tpu.memory_space<vmem>> -> memref<128xi32, #tpu.memory_space<vmem>>
    %dma_wait3A_416 = arith.constant 0 : i32
    %dma_wait3A_417 = arith.constant 0 : i32
    %dma_wait3A_418 = tpu.memref_slice %arg2[%dma_wait3A_416, %dma_wait3A_417] : memref<260001x64xf32, #tpu.memory_space<hbm>> -> memref<260001x64xf32, #tpu.memory_space<hbm>>
    tpu.wait_indirect_dma semaphore(%arg7 : memref<!tpu.dma_semaphore, #tpu.memory_space<semaphore_mem>>) src(%dma_wait3A_418 : memref<260001x64xf32, #tpu.memory_space<hbm>>) dst(%dma_wait3A_413 : memref<128x64xf32, #tpu.memory_space<vmem>>)
    %add3A_419 = arith.constant 1664 : i32
    %add3A_420 = arith.addi %mul3A_2, %add3A_419 : i32
    "tpu.region"() ({
      %run_scoped3A = tpu.sem_alloc : memref<!tpu.dma_semaphore, #tpu.memory_space<semaphore_mem>>
      %dma_start3A_421 = arith.constant 0 : i32
      %dma_start3A_422 = tpu.memref_slice %arg4[%add3A_420, %dma_start3A_421] : memref<106496x64xf32, #tpu.memory_space<hbm>> -> memref<1664x64xf32, #tpu.memory_space<hbm>>
      %dma_start3A_423 = arith.constant 0 : i32
      %dma_start3A_424 = tpu.memref_slice %arg4[%add3A_420, %dma_start3A_423] : memref<106496x64xf32, #tpu.memory_space<hbm>> -> memref<1664x64xf32, #tpu.memory_space<hbm>>
      tpu.enqueue_dma source(%arg6 : memref<1664x64xf32, #tpu.memory_space<vmem>>) target(%dma_start3A_424 : memref<1664x64xf32, #tpu.memory_space<hbm>>) target_semaphore(%run_scoped3A : memref<!tpu.dma_semaphore, #tpu.memory_space<semaphore_mem>>)
      %dma_wait3A_425 = arith.constant 0 : i32
      %dma_wait3A_426 = tpu.memref_slice %arg4[%add3A_420, %dma_wait3A_425] : memref<106496x64xf32, #tpu.memory_space<hbm>> -> memref<1664x64xf32, #tpu.memory_space<hbm>>
      %dma_wait3A_427 = arith.constant 0 : i32
      %dma_wait3A_428 = tpu.memref_slice %arg4[%add3A_420, %dma_wait3A_427] : memref<106496x64xf32, #tpu.memory_space<hbm>> -> memref<1664x64xf32, #tpu.memory_space<hbm>>
      tpu.wait_dma2 semaphore(%run_scoped3A : memref<!tpu.dma_semaphore, #tpu.memory_space<semaphore_mem>>) src(%arg6 : memref<1664x64xf32, #tpu.memory_space<vmem>>) dst(%dma_wait3A_428 : memref<1664x64xf32, #tpu.memory_space<hbm>>)
      tpu.yield
    }) : () -> ()
    return
  }
}

module attributes {stable_mosaic.version = 14 : i64} {
  func.func @_tc_body(%arg0: i32, %arg1: memref<13x1024x128xf32, #tpu.memory_space<vmem>>, %arg2: memref<1664x400xf32, #tpu.memory_space<vmem>>, %arg3: memref<416x400xf32, #tpu.memory_space<vmem>>, %arg4: memref<400x1xf32, #tpu.memory_space<vmem>>, %arg5: memref<400x1xf32, #tpu.memory_space<vmem>>, %arg6: memref<400x400xf32, #tpu.memory_space<vmem>>, %arg7: memref<400x1xf32, #tpu.memory_space<vmem>>, %arg8: memref<400x1xf32, #tpu.memory_space<vmem>>, %arg9: memref<400x1xf32, #tpu.memory_space<vmem>>, %arg10: memref<1x1xf32, #tpu.memory_space<vmem>>, %arg11: memref<1024x1xf32, #tpu.memory_space<vmem>>) attributes {dimension_semantics = [#tpu.dimension_semantics<arbitrary>], iteration_bounds = array<i64: 4>, scalar_prefetch = 0 : i64, scratch_operands = 0 : i64, tpu.core_type = #tpu.core_type<tc>, window_params = [{transform_indices = @transform_0, window_bounds = array<i64: 13, 1024, 128>}, {transform_indices = @transform_1, window_bounds = array<i64: 1664, 400>}, {pipeline_mode = #tpu.pipeline_mode<synchronous>, transform_indices = @transform_2, window_bounds = array<i64: 416, 400>}, {pipeline_mode = #tpu.pipeline_mode<synchronous>, transform_indices = @transform_3, window_bounds = array<i64: 400, 1>}, {pipeline_mode = #tpu.pipeline_mode<synchronous>, transform_indices = @transform_4, window_bounds = array<i64: 400, 1>}, {pipeline_mode = #tpu.pipeline_mode<synchronous>, transform_indices = @transform_5, window_bounds = array<i64: 400, 400>}, {pipeline_mode = #tpu.pipeline_mode<synchronous>, transform_indices = @transform_6, window_bounds = array<i64: 400, 1>}, {pipeline_mode = #tpu.pipeline_mode<synchronous>, transform_indices = @transform_7, window_bounds = array<i64: 400, 1>}, {pipeline_mode = #tpu.pipeline_mode<synchronous>, transform_indices = @transform_8, window_bounds = array<i64: 400, 1>}, {pipeline_mode = #tpu.pipeline_mode<synchronous>, transform_indices = @transform_9, window_bounds = array<i64: 1, 1>}, {transform_indices = @transform_10, window_bounds = array<i64: 1024, 1>}]} {
    %get3A = arith.constant 0 : index
    %get3A_0 = arith.constant 0 : index
    %get3A_1 = arith.constant 0 : index
    %get3A_2 = vector.load %arg1[%get3A, %get3A_0, %get3A_1] : memref<13x1024x128xf32, #tpu.memory_space<vmem>>, vector<1x1024x128xf32>
    %get3A_3 = vector.shape_cast %get3A_2 : vector<1x1024x128xf32> to vector<1024x128xf32>
    %transpose3A = tpu.transpose %get3A_3, [1, 0] : vector<1024x128xf32> -> vector<128x1024xf32>
    %get3A_4 = arith.constant 1 : index
    %get3A_5 = arith.constant 0 : index
    %get3A_6 = arith.constant 0 : index
    %get3A_7 = vector.load %arg1[%get3A_4, %get3A_5, %get3A_6] : memref<13x1024x128xf32, #tpu.memory_space<vmem>>, vector<1x1024x128xf32>
    %get3A_8 = vector.shape_cast %get3A_7 : vector<1x1024x128xf32> to vector<1024x128xf32>
    %transpose3A_9 = tpu.transpose %get3A_8, [1, 0] : vector<1024x128xf32> -> vector<128x1024xf32>
    %get3A_10 = arith.constant 2 : index
    %get3A_11 = arith.constant 0 : index
    %get3A_12 = arith.constant 0 : index
    %get3A_13 = vector.load %arg1[%get3A_10, %get3A_11, %get3A_12] : memref<13x1024x128xf32, #tpu.memory_space<vmem>>, vector<1x1024x128xf32>
    %get3A_14 = vector.shape_cast %get3A_13 : vector<1x1024x128xf32> to vector<1024x128xf32>
    %transpose3A_15 = tpu.transpose %get3A_14, [1, 0] : vector<1024x128xf32> -> vector<128x1024xf32>
    %get3A_16 = arith.constant 3 : index
    %get3A_17 = arith.constant 0 : index
    %get3A_18 = arith.constant 0 : index
    %get3A_19 = vector.load %arg1[%get3A_16, %get3A_17, %get3A_18] : memref<13x1024x128xf32, #tpu.memory_space<vmem>>, vector<1x1024x128xf32>
    %get3A_20 = vector.shape_cast %get3A_19 : vector<1x1024x128xf32> to vector<1024x128xf32>
    %transpose3A_21 = tpu.transpose %get3A_20, [1, 0] : vector<1024x128xf32> -> vector<128x1024xf32>
    %get3A_22 = arith.constant 4 : index
    %get3A_23 = arith.constant 0 : index
    %get3A_24 = arith.constant 0 : index
    %get3A_25 = vector.load %arg1[%get3A_22, %get3A_23, %get3A_24] : memref<13x1024x128xf32, #tpu.memory_space<vmem>>, vector<1x1024x128xf32>
    %get3A_26 = vector.shape_cast %get3A_25 : vector<1x1024x128xf32> to vector<1024x128xf32>
    %transpose3A_27 = tpu.transpose %get3A_26, [1, 0] : vector<1024x128xf32> -> vector<128x1024xf32>
    %get3A_28 = arith.constant 5 : index
    %get3A_29 = arith.constant 0 : index
    %get3A_30 = arith.constant 0 : index
    %get3A_31 = vector.load %arg1[%get3A_28, %get3A_29, %get3A_30] : memref<13x1024x128xf32, #tpu.memory_space<vmem>>, vector<1x1024x128xf32>
    %get3A_32 = vector.shape_cast %get3A_31 : vector<1x1024x128xf32> to vector<1024x128xf32>
    %transpose3A_33 = tpu.transpose %get3A_32, [1, 0] : vector<1024x128xf32> -> vector<128x1024xf32>
    %get3A_34 = arith.constant 6 : index
    %get3A_35 = arith.constant 0 : index
    %get3A_36 = arith.constant 0 : index
    %get3A_37 = vector.load %arg1[%get3A_34, %get3A_35, %get3A_36] : memref<13x1024x128xf32, #tpu.memory_space<vmem>>, vector<1x1024x128xf32>
    %get3A_38 = vector.shape_cast %get3A_37 : vector<1x1024x128xf32> to vector<1024x128xf32>
    %transpose3A_39 = tpu.transpose %get3A_38, [1, 0] : vector<1024x128xf32> -> vector<128x1024xf32>
    %get3A_40 = arith.constant 7 : index
    %get3A_41 = arith.constant 0 : index
    %get3A_42 = arith.constant 0 : index
    %get3A_43 = vector.load %arg1[%get3A_40, %get3A_41, %get3A_42] : memref<13x1024x128xf32, #tpu.memory_space<vmem>>, vector<1x1024x128xf32>
    %get3A_44 = vector.shape_cast %get3A_43 : vector<1x1024x128xf32> to vector<1024x128xf32>
    %transpose3A_45 = tpu.transpose %get3A_44, [1, 0] : vector<1024x128xf32> -> vector<128x1024xf32>
    %get3A_46 = arith.constant 8 : index
    %get3A_47 = arith.constant 0 : index
    %get3A_48 = arith.constant 0 : index
    %get3A_49 = vector.load %arg1[%get3A_46, %get3A_47, %get3A_48] : memref<13x1024x128xf32, #tpu.memory_space<vmem>>, vector<1x1024x128xf32>
    %get3A_50 = vector.shape_cast %get3A_49 : vector<1x1024x128xf32> to vector<1024x128xf32>
    %transpose3A_51 = tpu.transpose %get3A_50, [1, 0] : vector<1024x128xf32> -> vector<128x1024xf32>
    %get3A_52 = arith.constant 9 : index
    %get3A_53 = arith.constant 0 : index
    %get3A_54 = arith.constant 0 : index
    %get3A_55 = vector.load %arg1[%get3A_52, %get3A_53, %get3A_54] : memref<13x1024x128xf32, #tpu.memory_space<vmem>>, vector<1x1024x128xf32>
    %get3A_56 = vector.shape_cast %get3A_55 : vector<1x1024x128xf32> to vector<1024x128xf32>
    %transpose3A_57 = tpu.transpose %get3A_56, [1, 0] : vector<1024x128xf32> -> vector<128x1024xf32>
    %get3A_58 = arith.constant 10 : index
    %get3A_59 = arith.constant 0 : index
    %get3A_60 = arith.constant 0 : index
    %get3A_61 = vector.load %arg1[%get3A_58, %get3A_59, %get3A_60] : memref<13x1024x128xf32, #tpu.memory_space<vmem>>, vector<1x1024x128xf32>
    %get3A_62 = vector.shape_cast %get3A_61 : vector<1x1024x128xf32> to vector<1024x128xf32>
    %transpose3A_63 = tpu.transpose %get3A_62, [1, 0] : vector<1024x128xf32> -> vector<128x1024xf32>
    %get3A_64 = arith.constant 11 : index
    %get3A_65 = arith.constant 0 : index
    %get3A_66 = arith.constant 0 : index
    %get3A_67 = vector.load %arg1[%get3A_64, %get3A_65, %get3A_66] : memref<13x1024x128xf32, #tpu.memory_space<vmem>>, vector<1x1024x128xf32>
    %get3A_68 = vector.shape_cast %get3A_67 : vector<1x1024x128xf32> to vector<1024x128xf32>
    %transpose3A_69 = tpu.transpose %get3A_68, [1, 0] : vector<1024x128xf32> -> vector<128x1024xf32>
    %get3A_70 = arith.constant 12 : index
    %get3A_71 = arith.constant 0 : index
    %get3A_72 = arith.constant 0 : index
    %get3A_73 = vector.load %arg1[%get3A_70, %get3A_71, %get3A_72] : memref<13x1024x128xf32, #tpu.memory_space<vmem>>, vector<1x1024x128xf32>
    %get3A_74 = vector.shape_cast %get3A_73 : vector<1x1024x128xf32> to vector<1024x128xf32>
    %transpose3A_75 = tpu.transpose %get3A_74, [1, 0] : vector<1024x128xf32> -> vector<128x1024xf32>
    %concatenate3A = tpu.concatenate %transpose3A, %transpose3A_9, %transpose3A_15, %transpose3A_21, %transpose3A_27, %transpose3A_33, %transpose3A_39, %transpose3A_45, %transpose3A_51, %transpose3A_57, %transpose3A_63, %transpose3A_69, %transpose3A_75 in 0 : vector<128x1024xf32>, vector<128x1024xf32>, vector<128x1024xf32>, vector<128x1024xf32>, vector<128x1024xf32>, vector<128x1024xf32>, vector<128x1024xf32>, vector<128x1024xf32>, vector<128x1024xf32>, vector<128x1024xf32>, vector<128x1024xf32>, vector<128x1024xf32>, vector<128x1024xf32> -> vector<1664x1024xf32>
    %slice3A = vector.extract_strided_slice %concatenate3A {offsets = [0, 0], sizes = [1600, 1024], strides = [1, 1]} : vector<1664x1024xf32> to vector<1600x1024xf32>
    %slice3A_76 = vector.extract_strided_slice %concatenate3A {offsets = [64, 0], sizes = [1600, 1024], strides = [1, 1]} : vector<1664x1024xf32> to vector<1600x1024xf32>
    %mul3A = arith.mulf %slice3A, %slice3A_76 : vector<1600x1024xf32>
    %reshape3A = vector.shape_cast %mul3A : vector<1600x1024xf32> to vector<25x64x1024xf32>
    %reduce_sum3A = arith.constant dense<0.000000e+00> : vector<25x1024xf32>
    %reduce_sum3A_77 = vector.multi_reduction <add>, %reshape3A, %reduce_sum3A [1] : vector<25x64x1024xf32> to vector<25x1024xf32>
    %broadcast_in_dim3A = arith.constant 0.000000e+00 : f32
    %broadcast_in_dim3A_78 = vector.broadcast %broadcast_in_dim3A : f32 to vector<7x1024xf32>
    %concatenate3A_79 = tpu.concatenate %reduce_sum3A_77, %broadcast_in_dim3A_78 in 0 : vector<25x1024xf32>, vector<7x1024xf32> -> vector<32x1024xf32>
    %slice3A_80 = vector.extract_strided_slice %concatenate3A {offsets = [0, 0], sizes = [1536, 1024], strides = [1, 1]} : vector<1664x1024xf32> to vector<1536x1024xf32>
    %slice3A_81 = vector.extract_strided_slice %concatenate3A {offsets = [128, 0], sizes = [1536, 1024], strides = [1, 1]} : vector<1664x1024xf32> to vector<1536x1024xf32>
    %mul3A_82 = arith.mulf %slice3A_80, %slice3A_81 : vector<1536x1024xf32>
    %reshape3A_83 = vector.shape_cast %mul3A_82 : vector<1536x1024xf32> to vector<24x64x1024xf32>
    %reduce_sum3A_84 = arith.constant dense<0.000000e+00> : vector<24x1024xf32>
    %reduce_sum3A_85 = vector.multi_reduction <add>, %reshape3A_83, %reduce_sum3A_84 [1] : vector<24x64x1024xf32> to vector<24x1024xf32>
    %slice3A_86 = vector.extract_strided_slice %concatenate3A {offsets = [0, 0], sizes = [1472, 1024], strides = [1, 1]} : vector<1664x1024xf32> to vector<1472x1024xf32>
    %slice3A_87 = vector.extract_strided_slice %concatenate3A {offsets = [192, 0], sizes = [1472, 1024], strides = [1, 1]} : vector<1664x1024xf32> to vector<1472x1024xf32>
    %mul3A_88 = arith.mulf %slice3A_86, %slice3A_87 : vector<1472x1024xf32>
    %reshape3A_89 = vector.shape_cast %mul3A_88 : vector<1472x1024xf32> to vector<23x64x1024xf32>
    %reduce_sum3A_90 = arith.constant dense<0.000000e+00> : vector<23x1024xf32>
    %reduce_sum3A_91 = vector.multi_reduction <add>, %reshape3A_89, %reduce_sum3A_90 [1] : vector<23x64x1024xf32> to vector<23x1024xf32>
    %broadcast_in_dim3A_92 = arith.constant 0.000000e+00 : f32
    %broadcast_in_dim3A_93 = vector.broadcast %broadcast_in_dim3A_92 : f32 to vector<1x1024xf32>
    %concatenate3A_94 = tpu.concatenate %reduce_sum3A_91, %broadcast_in_dim3A_93 in 0 : vector<23x1024xf32>, vector<1x1024xf32> -> vector<24x1024xf32>
    %slice3A_95 = vector.extract_strided_slice %concatenate3A {offsets = [0, 0], sizes = [1408, 1024], strides = [1, 1]} : vector<1664x1024xf32> to vector<1408x1024xf32>
    %slice3A_96 = vector.extract_strided_slice %concatenate3A {offsets = [256, 0], sizes = [1408, 1024], strides = [1, 1]} : vector<1664x1024xf32> to vector<1408x1024xf32>
    %mul3A_97 = arith.mulf %slice3A_95, %slice3A_96 : vector<1408x1024xf32>
    %reshape3A_98 = vector.shape_cast %mul3A_97 : vector<1408x1024xf32> to vector<22x64x1024xf32>
    %reduce_sum3A_99 = arith.constant dense<0.000000e+00> : vector<22x1024xf32>
    %reduce_sum3A_100 = vector.multi_reduction <add>, %reshape3A_98, %reduce_sum3A_99 [1] : vector<22x64x1024xf32> to vector<22x1024xf32>
    %broadcast_in_dim3A_101 = arith.constant 0.000000e+00 : f32
    %broadcast_in_dim3A_102 = vector.broadcast %broadcast_in_dim3A_101 : f32 to vector<2x1024xf32>
    %concatenate3A_103 = tpu.concatenate %reduce_sum3A_100, %broadcast_in_dim3A_102 in 0 : vector<22x1024xf32>, vector<2x1024xf32> -> vector<24x1024xf32>
    %slice3A_104 = vector.extract_strided_slice %concatenate3A {offsets = [0, 0], sizes = [1344, 1024], strides = [1, 1]} : vector<1664x1024xf32> to vector<1344x1024xf32>
    %slice3A_105 = vector.extract_strided_slice %concatenate3A {offsets = [320, 0], sizes = [1344, 1024], strides = [1, 1]} : vector<1664x1024xf32> to vector<1344x1024xf32>
    %mul3A_106 = arith.mulf %slice3A_104, %slice3A_105 : vector<1344x1024xf32>
    %reshape3A_107 = vector.shape_cast %mul3A_106 : vector<1344x1024xf32> to vector<21x64x1024xf32>
    %reduce_sum3A_108 = arith.constant dense<0.000000e+00> : vector<21x1024xf32>
    %reduce_sum3A_109 = vector.multi_reduction <add>, %reshape3A_107, %reduce_sum3A_108 [1] : vector<21x64x1024xf32> to vector<21x1024xf32>
    %broadcast_in_dim3A_110 = arith.constant 0.000000e+00 : f32
    %broadcast_in_dim3A_111 = vector.broadcast %broadcast_in_dim3A_110 : f32 to vector<3x1024xf32>
    %concatenate3A_112 = tpu.concatenate %reduce_sum3A_109, %broadcast_in_dim3A_111 in 0 : vector<21x1024xf32>, vector<3x1024xf32> -> vector<24x1024xf32>
    %slice3A_113 = vector.extract_strided_slice %concatenate3A {offsets = [0, 0], sizes = [1280, 1024], strides = [1, 1]} : vector<1664x1024xf32> to vector<1280x1024xf32>
    %slice3A_114 = vector.extract_strided_slice %concatenate3A {offsets = [384, 0], sizes = [1280, 1024], strides = [1, 1]} : vector<1664x1024xf32> to vector<1280x1024xf32>
    %mul3A_115 = arith.mulf %slice3A_113, %slice3A_114 : vector<1280x1024xf32>
    %reshape3A_116 = vector.shape_cast %mul3A_115 : vector<1280x1024xf32> to vector<20x64x1024xf32>
    %reduce_sum3A_117 = arith.constant dense<0.000000e+00> : vector<20x1024xf32>
    %reduce_sum3A_118 = vector.multi_reduction <add>, %reshape3A_116, %reduce_sum3A_117 [1] : vector<20x64x1024xf32> to vector<20x1024xf32>
    %broadcast_in_dim3A_119 = arith.constant 0.000000e+00 : f32
    %broadcast_in_dim3A_120 = vector.broadcast %broadcast_in_dim3A_119 : f32 to vector<4x1024xf32>
    %concatenate3A_121 = tpu.concatenate %reduce_sum3A_118, %broadcast_in_dim3A_120 in 0 : vector<20x1024xf32>, vector<4x1024xf32> -> vector<24x1024xf32>
    %slice3A_122 = vector.extract_strided_slice %concatenate3A {offsets = [0, 0], sizes = [1216, 1024], strides = [1, 1]} : vector<1664x1024xf32> to vector<1216x1024xf32>
    %slice3A_123 = vector.extract_strided_slice %concatenate3A {offsets = [448, 0], sizes = [1216, 1024], strides = [1, 1]} : vector<1664x1024xf32> to vector<1216x1024xf32>
    %mul3A_124 = arith.mulf %slice3A_122, %slice3A_123 : vector<1216x1024xf32>
    %reshape3A_125 = vector.shape_cast %mul3A_124 : vector<1216x1024xf32> to vector<19x64x1024xf32>
    %reduce_sum3A_126 = arith.constant dense<0.000000e+00> : vector<19x1024xf32>
    %reduce_sum3A_127 = vector.multi_reduction <add>, %reshape3A_125, %reduce_sum3A_126 [1] : vector<19x64x1024xf32> to vector<19x1024xf32>
    %broadcast_in_dim3A_128 = arith.constant 0.000000e+00 : f32
    %broadcast_in_dim3A_129 = vector.broadcast %broadcast_in_dim3A_128 : f32 to vector<5x1024xf32>
    %concatenate3A_130 = tpu.concatenate %reduce_sum3A_127, %broadcast_in_dim3A_129 in 0 : vector<19x1024xf32>, vector<5x1024xf32> -> vector<24x1024xf32>
    %slice3A_131 = vector.extract_strided_slice %concatenate3A {offsets = [0, 0], sizes = [1152, 1024], strides = [1, 1]} : vector<1664x1024xf32> to vector<1152x1024xf32>
    %slice3A_132 = vector.extract_strided_slice %concatenate3A {offsets = [512, 0], sizes = [1152, 1024], strides = [1, 1]} : vector<1664x1024xf32> to vector<1152x1024xf32>
    %mul3A_133 = arith.mulf %slice3A_131, %slice3A_132 : vector<1152x1024xf32>
    %reshape3A_134 = vector.shape_cast %mul3A_133 : vector<1152x1024xf32> to vector<18x64x1024xf32>
    %reduce_sum3A_135 = arith.constant dense<0.000000e+00> : vector<18x1024xf32>
    %reduce_sum3A_136 = vector.multi_reduction <add>, %reshape3A_134, %reduce_sum3A_135 [1] : vector<18x64x1024xf32> to vector<18x1024xf32>
    %broadcast_in_dim3A_137 = arith.constant 0.000000e+00 : f32
    %broadcast_in_dim3A_138 = vector.broadcast %broadcast_in_dim3A_137 : f32 to vector<6x1024xf32>
    %concatenate3A_139 = tpu.concatenate %reduce_sum3A_136, %broadcast_in_dim3A_138 in 0 : vector<18x1024xf32>, vector<6x1024xf32> -> vector<24x1024xf32>
    %slice3A_140 = vector.extract_strided_slice %concatenate3A {offsets = [0, 0], sizes = [1088, 1024], strides = [1, 1]} : vector<1664x1024xf32> to vector<1088x1024xf32>
    %slice3A_141 = vector.extract_strided_slice %concatenate3A {offsets = [576, 0], sizes = [1088, 1024], strides = [1, 1]} : vector<1664x1024xf32> to vector<1088x1024xf32>
    %mul3A_142 = arith.mulf %slice3A_140, %slice3A_141 : vector<1088x1024xf32>
    %reshape3A_143 = vector.shape_cast %mul3A_142 : vector<1088x1024xf32> to vector<17x64x1024xf32>
    %reduce_sum3A_144 = arith.constant dense<0.000000e+00> : vector<17x1024xf32>
    %reduce_sum3A_145 = vector.multi_reduction <add>, %reshape3A_143, %reduce_sum3A_144 [1] : vector<17x64x1024xf32> to vector<17x1024xf32>
    %broadcast_in_dim3A_146 = arith.constant 0.000000e+00 : f32
    %broadcast_in_dim3A_147 = vector.broadcast %broadcast_in_dim3A_146 : f32 to vector<7x1024xf32>
    %concatenate3A_148 = tpu.concatenate %reduce_sum3A_145, %broadcast_in_dim3A_147 in 0 : vector<17x1024xf32>, vector<7x1024xf32> -> vector<24x1024xf32>
    %slice3A_149 = vector.extract_strided_slice %concatenate3A {offsets = [0, 0], sizes = [1024, 1024], strides = [1, 1]} : vector<1664x1024xf32> to vector<1024x1024xf32>
    %slice3A_150 = vector.extract_strided_slice %concatenate3A {offsets = [640, 0], sizes = [1024, 1024], strides = [1, 1]} : vector<1664x1024xf32> to vector<1024x1024xf32>
    %mul3A_151 = arith.mulf %slice3A_149, %slice3A_150 : vector<1024x1024xf32>
    %reshape3A_152 = vector.shape_cast %mul3A_151 : vector<1024x1024xf32> to vector<16x64x1024xf32>
    %reduce_sum3A_153 = arith.constant dense<0.000000e+00> : vector<16x1024xf32>
    %reduce_sum3A_154 = vector.multi_reduction <add>, %reshape3A_152, %reduce_sum3A_153 [1] : vector<16x64x1024xf32> to vector<16x1024xf32>
    %slice3A_155 = vector.extract_strided_slice %concatenate3A {offsets = [0, 0], sizes = [960, 1024], strides = [1, 1]} : vector<1664x1024xf32> to vector<960x1024xf32>
    %slice3A_156 = vector.extract_strided_slice %concatenate3A {offsets = [704, 0], sizes = [960, 1024], strides = [1, 1]} : vector<1664x1024xf32> to vector<960x1024xf32>
    %mul3A_157 = arith.mulf %slice3A_155, %slice3A_156 : vector<960x1024xf32>
    %reshape3A_158 = vector.shape_cast %mul3A_157 : vector<960x1024xf32> to vector<15x64x1024xf32>
    %reduce_sum3A_159 = arith.constant dense<0.000000e+00> : vector<15x1024xf32>
    %reduce_sum3A_160 = vector.multi_reduction <add>, %reshape3A_158, %reduce_sum3A_159 [1] : vector<15x64x1024xf32> to vector<15x1024xf32>
    %broadcast_in_dim3A_161 = arith.constant 0.000000e+00 : f32
    %broadcast_in_dim3A_162 = vector.broadcast %broadcast_in_dim3A_161 : f32 to vector<1x1024xf32>
    %concatenate3A_163 = tpu.concatenate %reduce_sum3A_160, %broadcast_in_dim3A_162 in 0 : vector<15x1024xf32>, vector<1x1024xf32> -> vector<16x1024xf32>
    %slice3A_164 = vector.extract_strided_slice %concatenate3A {offsets = [0, 0], sizes = [896, 1024], strides = [1, 1]} : vector<1664x1024xf32> to vector<896x1024xf32>
    %slice3A_165 = vector.extract_strided_slice %concatenate3A {offsets = [768, 0], sizes = [896, 1024], strides = [1, 1]} : vector<1664x1024xf32> to vector<896x1024xf32>
    %mul3A_166 = arith.mulf %slice3A_164, %slice3A_165 : vector<896x1024xf32>
    %reshape3A_167 = vector.shape_cast %mul3A_166 : vector<896x1024xf32> to vector<14x64x1024xf32>
    %reduce_sum3A_168 = arith.constant dense<0.000000e+00> : vector<14x1024xf32>
    %reduce_sum3A_169 = vector.multi_reduction <add>, %reshape3A_167, %reduce_sum3A_168 [1] : vector<14x64x1024xf32> to vector<14x1024xf32>
    %broadcast_in_dim3A_170 = arith.constant 0.000000e+00 : f32
    %broadcast_in_dim3A_171 = vector.broadcast %broadcast_in_dim3A_170 : f32 to vector<2x1024xf32>
    %concatenate3A_172 = tpu.concatenate %reduce_sum3A_169, %broadcast_in_dim3A_171 in 0 : vector<14x1024xf32>, vector<2x1024xf32> -> vector<16x1024xf32>
    %slice3A_173 = vector.extract_strided_slice %concatenate3A {offsets = [0, 0], sizes = [832, 1024], strides = [1, 1]} : vector<1664x1024xf32> to vector<832x1024xf32>
    %slice3A_174 = vector.extract_strided_slice %concatenate3A {offsets = [832, 0], sizes = [832, 1024], strides = [1, 1]} : vector<1664x1024xf32> to vector<832x1024xf32>
    %mul3A_175 = arith.mulf %slice3A_173, %slice3A_174 : vector<832x1024xf32>
    %reshape3A_176 = vector.shape_cast %mul3A_175 : vector<832x1024xf32> to vector<13x64x1024xf32>
    %reduce_sum3A_177 = arith.constant dense<0.000000e+00> : vector<13x1024xf32>
    %reduce_sum3A_178 = vector.multi_reduction <add>, %reshape3A_176, %reduce_sum3A_177 [1] : vector<13x64x1024xf32> to vector<13x1024xf32>
    %broadcast_in_dim3A_179 = arith.constant 0.000000e+00 : f32
    %broadcast_in_dim3A_180 = vector.broadcast %broadcast_in_dim3A_179 : f32 to vector<3x1024xf32>
    %concatenate3A_181 = tpu.concatenate %reduce_sum3A_178, %broadcast_in_dim3A_180 in 0 : vector<13x1024xf32>, vector<3x1024xf32> -> vector<16x1024xf32>
    %slice3A_182 = vector.extract_strided_slice %concatenate3A {offsets = [0, 0], sizes = [768, 1024], strides = [1, 1]} : vector<1664x1024xf32> to vector<768x1024xf32>
    %slice3A_183 = vector.extract_strided_slice %concatenate3A {offsets = [896, 0], sizes = [768, 1024], strides = [1, 1]} : vector<1664x1024xf32> to vector<768x1024xf32>
    %mul3A_184 = arith.mulf %slice3A_182, %slice3A_183 : vector<768x1024xf32>
    %reshape3A_185 = vector.shape_cast %mul3A_184 : vector<768x1024xf32> to vector<12x64x1024xf32>
    %reduce_sum3A_186 = arith.constant dense<0.000000e+00> : vector<12x1024xf32>
    %reduce_sum3A_187 = vector.multi_reduction <add>, %reshape3A_185, %reduce_sum3A_186 [1] : vector<12x64x1024xf32> to vector<12x1024xf32>
    %broadcast_in_dim3A_188 = arith.constant 0.000000e+00 : f32
    %broadcast_in_dim3A_189 = vector.broadcast %broadcast_in_dim3A_188 : f32 to vector<4x1024xf32>
    %concatenate3A_190 = tpu.concatenate %reduce_sum3A_187, %broadcast_in_dim3A_189 in 0 : vector<12x1024xf32>, vector<4x1024xf32> -> vector<16x1024xf32>
    %slice3A_191 = vector.extract_strided_slice %concatenate3A {offsets = [0, 0], sizes = [704, 1024], strides = [1, 1]} : vector<1664x1024xf32> to vector<704x1024xf32>
    %slice3A_192 = vector.extract_strided_slice %concatenate3A {offsets = [960, 0], sizes = [704, 1024], strides = [1, 1]} : vector<1664x1024xf32> to vector<704x1024xf32>
    %mul3A_193 = arith.mulf %slice3A_191, %slice3A_192 : vector<704x1024xf32>
    %reshape3A_194 = vector.shape_cast %mul3A_193 : vector<704x1024xf32> to vector<11x64x1024xf32>
    %reduce_sum3A_195 = arith.constant dense<0.000000e+00> : vector<11x1024xf32>
    %reduce_sum3A_196 = vector.multi_reduction <add>, %reshape3A_194, %reduce_sum3A_195 [1] : vector<11x64x1024xf32> to vector<11x1024xf32>
    %broadcast_in_dim3A_197 = arith.constant 0.000000e+00 : f32
    %broadcast_in_dim3A_198 = vector.broadcast %broadcast_in_dim3A_197 : f32 to vector<5x1024xf32>
    %concatenate3A_199 = tpu.concatenate %reduce_sum3A_196, %broadcast_in_dim3A_198 in 0 : vector<11x1024xf32>, vector<5x1024xf32> -> vector<16x1024xf32>
    %slice3A_200 = vector.extract_strided_slice %concatenate3A {offsets = [0, 0], sizes = [640, 1024], strides = [1, 1]} : vector<1664x1024xf32> to vector<640x1024xf32>
    %slice3A_201 = vector.extract_strided_slice %concatenate3A {offsets = [1024, 0], sizes = [640, 1024], strides = [1, 1]} : vector<1664x1024xf32> to vector<640x1024xf32>
    %mul3A_202 = arith.mulf %slice3A_200, %slice3A_201 : vector<640x1024xf32>
    %reshape3A_203 = vector.shape_cast %mul3A_202 : vector<640x1024xf32> to vector<10x64x1024xf32>
    %reduce_sum3A_204 = arith.constant dense<0.000000e+00> : vector<10x1024xf32>
    %reduce_sum3A_205 = vector.multi_reduction <add>, %reshape3A_203, %reduce_sum3A_204 [1] : vector<10x64x1024xf32> to vector<10x1024xf32>
    %broadcast_in_dim3A_206 = arith.constant 0.000000e+00 : f32
    %broadcast_in_dim3A_207 = vector.broadcast %broadcast_in_dim3A_206 : f32 to vector<6x1024xf32>
    %concatenate3A_208 = tpu.concatenate %reduce_sum3A_205, %broadcast_in_dim3A_207 in 0 : vector<10x1024xf32>, vector<6x1024xf32> -> vector<16x1024xf32>
    %slice3A_209 = vector.extract_strided_slice %concatenate3A {offsets = [0, 0], sizes = [576, 1024], strides = [1, 1]} : vector<1664x1024xf32> to vector<576x1024xf32>
    %slice3A_210 = vector.extract_strided_slice %concatenate3A {offsets = [1088, 0], sizes = [576, 1024], strides = [1, 1]} : vector<1664x1024xf32> to vector<576x1024xf32>
    %mul3A_211 = arith.mulf %slice3A_209, %slice3A_210 : vector<576x1024xf32>
    %reshape3A_212 = vector.shape_cast %mul3A_211 : vector<576x1024xf32> to vector<9x64x1024xf32>
    %reduce_sum3A_213 = arith.constant dense<0.000000e+00> : vector<9x1024xf32>
    %reduce_sum3A_214 = vector.multi_reduction <add>, %reshape3A_212, %reduce_sum3A_213 [1] : vector<9x64x1024xf32> to vector<9x1024xf32>
    %broadcast_in_dim3A_215 = arith.constant 0.000000e+00 : f32
    %broadcast_in_dim3A_216 = vector.broadcast %broadcast_in_dim3A_215 : f32 to vector<7x1024xf32>
    %concatenate3A_217 = tpu.concatenate %reduce_sum3A_214, %broadcast_in_dim3A_216 in 0 : vector<9x1024xf32>, vector<7x1024xf32> -> vector<16x1024xf32>
    %slice3A_218 = vector.extract_strided_slice %concatenate3A {offsets = [0, 0], sizes = [512, 1024], strides = [1, 1]} : vector<1664x1024xf32> to vector<512x1024xf32>
    %slice3A_219 = vector.extract_strided_slice %concatenate3A {offsets = [1152, 0], sizes = [512, 1024], strides = [1, 1]} : vector<1664x1024xf32> to vector<512x1024xf32>
    %mul3A_220 = arith.mulf %slice3A_218, %slice3A_219 : vector<512x1024xf32>
    %reshape3A_221 = vector.shape_cast %mul3A_220 : vector<512x1024xf32> to vector<8x64x1024xf32>
    %reduce_sum3A_222 = arith.constant dense<0.000000e+00> : vector<8x1024xf32>
    %reduce_sum3A_223 = vector.multi_reduction <add>, %reshape3A_221, %reduce_sum3A_222 [1] : vector<8x64x1024xf32> to vector<8x1024xf32>
    %slice3A_224 = vector.extract_strided_slice %concatenate3A {offsets = [0, 0], sizes = [448, 1024], strides = [1, 1]} : vector<1664x1024xf32> to vector<448x1024xf32>
    %slice3A_225 = vector.extract_strided_slice %concatenate3A {offsets = [1216, 0], sizes = [448, 1024], strides = [1, 1]} : vector<1664x1024xf32> to vector<448x1024xf32>
    %mul3A_226 = arith.mulf %slice3A_224, %slice3A_225 : vector<448x1024xf32>
    %reshape3A_227 = vector.shape_cast %mul3A_226 : vector<448x1024xf32> to vector<7x64x1024xf32>
    %reduce_sum3A_228 = arith.constant dense<0.000000e+00> : vector<7x1024xf32>
    %reduce_sum3A_229 = vector.multi_reduction <add>, %reshape3A_227, %reduce_sum3A_228 [1] : vector<7x64x1024xf32> to vector<7x1024xf32>
    %broadcast_in_dim3A_230 = arith.constant 0.000000e+00 : f32
    %broadcast_in_dim3A_231 = vector.broadcast %broadcast_in_dim3A_230 : f32 to vector<1x1024xf32>
    %concatenate3A_232 = tpu.concatenate %reduce_sum3A_229, %broadcast_in_dim3A_231 in 0 : vector<7x1024xf32>, vector<1x1024xf32> -> vector<8x1024xf32>
    %slice3A_233 = vector.extract_strided_slice %concatenate3A {offsets = [0, 0], sizes = [384, 1024], strides = [1, 1]} : vector<1664x1024xf32> to vector<384x1024xf32>
    %slice3A_234 = vector.extract_strided_slice %concatenate3A {offsets = [1280, 0], sizes = [384, 1024], strides = [1, 1]} : vector<1664x1024xf32> to vector<384x1024xf32>
    %mul3A_235 = arith.mulf %slice3A_233, %slice3A_234 : vector<384x1024xf32>
    %reshape3A_236 = vector.shape_cast %mul3A_235 : vector<384x1024xf32> to vector<6x64x1024xf32>
    %reduce_sum3A_237 = arith.constant dense<0.000000e+00> : vector<6x1024xf32>
    %reduce_sum3A_238 = vector.multi_reduction <add>, %reshape3A_236, %reduce_sum3A_237 [1] : vector<6x64x1024xf32> to vector<6x1024xf32>
    %broadcast_in_dim3A_239 = arith.constant 0.000000e+00 : f32
    %broadcast_in_dim3A_240 = vector.broadcast %broadcast_in_dim3A_239 : f32 to vector<2x1024xf32>
    %concatenate3A_241 = tpu.concatenate %reduce_sum3A_238, %broadcast_in_dim3A_240 in 0 : vector<6x1024xf32>, vector<2x1024xf32> -> vector<8x1024xf32>
    %slice3A_242 = vector.extract_strided_slice %concatenate3A {offsets = [0, 0], sizes = [320, 1024], strides = [1, 1]} : vector<1664x1024xf32> to vector<320x1024xf32>
    %slice3A_243 = vector.extract_strided_slice %concatenate3A {offsets = [1344, 0], sizes = [320, 1024], strides = [1, 1]} : vector<1664x1024xf32> to vector<320x1024xf32>
    %mul3A_244 = arith.mulf %slice3A_242, %slice3A_243 : vector<320x1024xf32>
    %reshape3A_245 = vector.shape_cast %mul3A_244 : vector<320x1024xf32> to vector<5x64x1024xf32>
    %reduce_sum3A_246 = arith.constant dense<0.000000e+00> : vector<5x1024xf32>
    %reduce_sum3A_247 = vector.multi_reduction <add>, %reshape3A_245, %reduce_sum3A_246 [1] : vector<5x64x1024xf32> to vector<5x1024xf32>
    %broadcast_in_dim3A_248 = arith.constant 0.000000e+00 : f32
    %broadcast_in_dim3A_249 = vector.broadcast %broadcast_in_dim3A_248 : f32 to vector<3x1024xf32>
    %concatenate3A_250 = tpu.concatenate %reduce_sum3A_247, %broadcast_in_dim3A_249 in 0 : vector<5x1024xf32>, vector<3x1024xf32> -> vector<8x1024xf32>
    %slice3A_251 = vector.extract_strided_slice %concatenate3A {offsets = [0, 0], sizes = [256, 1024], strides = [1, 1]} : vector<1664x1024xf32> to vector<256x1024xf32>
    %slice3A_252 = vector.extract_strided_slice %concatenate3A {offsets = [1408, 0], sizes = [256, 1024], strides = [1, 1]} : vector<1664x1024xf32> to vector<256x1024xf32>
    %mul3A_253 = arith.mulf %slice3A_251, %slice3A_252 : vector<256x1024xf32>
    %reshape3A_254 = vector.shape_cast %mul3A_253 : vector<256x1024xf32> to vector<4x64x1024xf32>
    %reduce_sum3A_255 = arith.constant dense<0.000000e+00> : vector<4x1024xf32>
    %reduce_sum3A_256 = vector.multi_reduction <add>, %reshape3A_254, %reduce_sum3A_255 [1] : vector<4x64x1024xf32> to vector<4x1024xf32>
    %broadcast_in_dim3A_257 = arith.constant 0.000000e+00 : f32
    %broadcast_in_dim3A_258 = vector.broadcast %broadcast_in_dim3A_257 : f32 to vector<4x1024xf32>
    %concatenate3A_259 = tpu.concatenate %reduce_sum3A_256, %broadcast_in_dim3A_258 in 0 : vector<4x1024xf32>, vector<4x1024xf32> -> vector<8x1024xf32>
    %slice3A_260 = vector.extract_strided_slice %concatenate3A {offsets = [0, 0], sizes = [192, 1024], strides = [1, 1]} : vector<1664x1024xf32> to vector<192x1024xf32>
    %slice3A_261 = vector.extract_strided_slice %concatenate3A {offsets = [1472, 0], sizes = [192, 1024], strides = [1, 1]} : vector<1664x1024xf32> to vector<192x1024xf32>
    %mul3A_262 = arith.mulf %slice3A_260, %slice3A_261 : vector<192x1024xf32>
    %reshape3A_263 = vector.shape_cast %mul3A_262 : vector<192x1024xf32> to vector<3x64x1024xf32>
    %reduce_sum3A_264 = arith.constant dense<0.000000e+00> : vector<3x1024xf32>
    %reduce_sum3A_265 = vector.multi_reduction <add>, %reshape3A_263, %reduce_sum3A_264 [1] : vector<3x64x1024xf32> to vector<3x1024xf32>
    %broadcast_in_dim3A_266 = arith.constant 0.000000e+00 : f32
    %broadcast_in_dim3A_267 = vector.broadcast %broadcast_in_dim3A_266 : f32 to vector<5x1024xf32>
    %concatenate3A_268 = tpu.concatenate %reduce_sum3A_265, %broadcast_in_dim3A_267 in 0 : vector<3x1024xf32>, vector<5x1024xf32> -> vector<8x1024xf32>
    %slice3A_269 = vector.extract_strided_slice %concatenate3A {offsets = [0, 0], sizes = [128, 1024], strides = [1, 1]} : vector<1664x1024xf32> to vector<128x1024xf32>
    %slice3A_270 = vector.extract_strided_slice %concatenate3A {offsets = [1536, 0], sizes = [128, 1024], strides = [1, 1]} : vector<1664x1024xf32> to vector<128x1024xf32>
    %mul3A_271 = arith.mulf %slice3A_269, %slice3A_270 : vector<128x1024xf32>
    %reshape3A_272 = vector.shape_cast %mul3A_271 : vector<128x1024xf32> to vector<2x64x1024xf32>
    %reduce_sum3A_273 = arith.constant dense<0.000000e+00> : vector<2x1024xf32>
    %reduce_sum3A_274 = vector.multi_reduction <add>, %reshape3A_272, %reduce_sum3A_273 [1] : vector<2x64x1024xf32> to vector<2x1024xf32>
    %broadcast_in_dim3A_275 = arith.constant 0.000000e+00 : f32
    %broadcast_in_dim3A_276 = vector.broadcast %broadcast_in_dim3A_275 : f32 to vector<6x1024xf32>
    %concatenate3A_277 = tpu.concatenate %reduce_sum3A_274, %broadcast_in_dim3A_276 in 0 : vector<2x1024xf32>, vector<6x1024xf32> -> vector<8x1024xf32>
    %slice3A_278 = vector.extract_strided_slice %concatenate3A {offsets = [0, 0], sizes = [64, 1024], strides = [1, 1]} : vector<1664x1024xf32> to vector<64x1024xf32>
    %slice3A_279 = vector.extract_strided_slice %concatenate3A {offsets = [1600, 0], sizes = [64, 1024], strides = [1, 1]} : vector<1664x1024xf32> to vector<64x1024xf32>
    %mul3A_280 = arith.mulf %slice3A_278, %slice3A_279 : vector<64x1024xf32>
    %reshape3A_281 = vector.shape_cast %mul3A_280 : vector<64x1024xf32> to vector<1x64x1024xf32>
    %reduce_sum3A_282 = arith.constant dense<0.000000e+00> : vector<1x1024xf32>
    %reduce_sum3A_283 = vector.multi_reduction <add>, %reshape3A_281, %reduce_sum3A_282 [1] : vector<1x64x1024xf32> to vector<1x1024xf32>
    %broadcast_in_dim3A_284 = arith.constant 0.000000e+00 : f32
    %broadcast_in_dim3A_285 = vector.broadcast %broadcast_in_dim3A_284 : f32 to vector<7x1024xf32>
    %concatenate3A_286 = tpu.concatenate %reduce_sum3A_283, %broadcast_in_dim3A_285 in 0 : vector<1x1024xf32>, vector<7x1024xf32> -> vector<8x1024xf32>
    %concatenate3A_287 = tpu.concatenate %concatenate3A_79, %reduce_sum3A_85, %concatenate3A_94, %concatenate3A_103, %concatenate3A_112, %concatenate3A_121, %concatenate3A_130, %concatenate3A_139, %concatenate3A_148, %reduce_sum3A_154, %concatenate3A_163, %concatenate3A_172, %concatenate3A_181, %concatenate3A_190, %concatenate3A_199, %concatenate3A_208, %concatenate3A_217, %reduce_sum3A_223, %concatenate3A_232, %concatenate3A_241, %concatenate3A_250, %concatenate3A_259, %concatenate3A_268, %concatenate3A_277, %concatenate3A_286 in 0 : vector<32x1024xf32>, vector<24x1024xf32>, vector<24x1024xf32>, vector<24x1024xf32>, vector<24x1024xf32>, vector<24x1024xf32>, vector<24x1024xf32>, vector<24x1024xf32>, vector<24x1024xf32>, vector<16x1024xf32>, vector<16x1024xf32>, vector<16x1024xf32>, vector<16x1024xf32>, vector<16x1024xf32>, vector<16x1024xf32>, vector<16x1024xf32>, vector<16x1024xf32>, vector<8x1024xf32>, vector<8x1024xf32>, vector<8x1024xf32>, vector<8x1024xf32>, vector<8x1024xf32>, vector<8x1024xf32>, vector<8x1024xf32>, vector<8x1024xf32> -> vector<416x1024xf32>
    %get3A_288 = arith.constant 0 : index
    %get3A_289 = arith.constant 0 : index
    %get3A_290 = vector.load %arg2[%get3A_288, %get3A_289] : memref<1664x400xf32, #tpu.memory_space<vmem>>, vector<1664x400xf32>
    %dot_general3A = arith.constant dense<0.000000e+00> : vector<400x1024xf32>
    %dot_general3A_291 = tpu.matmul %get3A_290, %concatenate3A, %dot_general3A {dimension_numbers = #tpu.dot_dimension_numbers<[0], [0], [1], [1], [0, 1, 1, 1], [], []>, transpose_lhs_hint = false} : vector<1664x400xf32>, vector<1664x1024xf32>, vector<400x1024xf32> -> vector<400x1024xf32>
    %get3A_292 = arith.constant 0 : index
    %get3A_293 = arith.constant 0 : index
    %get3A_294 = vector.load %arg3[%get3A_292, %get3A_293] : memref<416x400xf32, #tpu.memory_space<vmem>>, vector<416x400xf32>
    %dot_general3A_295 = arith.constant dense<0.000000e+00> : vector<400x1024xf32>
    %dot_general3A_296 = tpu.matmul %get3A_294, %concatenate3A_287, %dot_general3A_295 {dimension_numbers = #tpu.dot_dimension_numbers<[0], [0], [1], [1], [0, 1, 1, 1], [], []>, transpose_lhs_hint = false} : vector<416x400xf32>, vector<416x1024xf32>, vector<400x1024xf32> -> vector<400x1024xf32>
    %add3A = arith.addf %dot_general3A_291, %dot_general3A_296 : vector<400x1024xf32>
    %get3A_297 = arith.constant 0 : index
    %get3A_298 = arith.constant 0 : index
    %get3A_299 = vector.load %arg4[%get3A_297, %get3A_298] : memref<400x1xf32, #tpu.memory_space<vmem>>, vector<400x1xf32>
    %mul3A_300 = vector.broadcast %get3A_299 : vector<400x1xf32> to vector<400x1024xf32>
    %mul3A_301 = arith.mulf %add3A, %mul3A_300 : vector<400x1024xf32>
    %get3A_302 = arith.constant 0 : index
    %get3A_303 = arith.constant 0 : index
    %get3A_304 = vector.load %arg5[%get3A_302, %get3A_303] : memref<400x1xf32, #tpu.memory_space<vmem>>, vector<400x1xf32>
    %add3A_305 = vector.broadcast %get3A_304 : vector<400x1xf32> to vector<400x1024xf32>
    %add3A_306 = arith.addf %mul3A_301, %add3A_305 : vector<400x1024xf32>
    %max3A = arith.constant 0.000000e+00 : f32
    %max3A_307 = vector.broadcast %max3A : f32 to vector<400x1024xf32>
    %max3A_308 = arith.maximumf %add3A_306, %max3A_307 : vector<400x1024xf32>
    %get3A_309 = arith.constant 0 : index
    %get3A_310 = arith.constant 0 : index
    %get3A_311 = vector.load %arg6[%get3A_309, %get3A_310] : memref<400x400xf32, #tpu.memory_space<vmem>>, vector<400x400xf32>
    %dot_general3A_312 = arith.constant dense<0.000000e+00> : vector<400x1024xf32>
    %dot_general3A_313 = tpu.matmul %get3A_311, %max3A_308, %dot_general3A_312 {dimension_numbers = #tpu.dot_dimension_numbers<[0], [0], [1], [1], [0, 1, 1, 1], [], []>, transpose_lhs_hint = false} : vector<400x400xf32>, vector<400x1024xf32>, vector<400x1024xf32> -> vector<400x1024xf32>
    %get3A_314 = arith.constant 0 : index
    %get3A_315 = arith.constant 0 : index
    %get3A_316 = vector.load %arg7[%get3A_314, %get3A_315] : memref<400x1xf32, #tpu.memory_space<vmem>>, vector<400x1xf32>
    %mul3A_317 = vector.broadcast %get3A_316 : vector<400x1xf32> to vector<400x1024xf32>
    %mul3A_318 = arith.mulf %dot_general3A_313, %mul3A_317 : vector<400x1024xf32>
    %get3A_319 = arith.constant 0 : index
    %get3A_320 = arith.constant 0 : index
    %get3A_321 = vector.load %arg8[%get3A_319, %get3A_320] : memref<400x1xf32, #tpu.memory_space<vmem>>, vector<400x1xf32>
    %add3A_322 = vector.broadcast %get3A_321 : vector<400x1xf32> to vector<400x1024xf32>
    %add3A_323 = arith.addf %mul3A_318, %add3A_322 : vector<400x1024xf32>
    %max3A_324 = arith.constant 0.000000e+00 : f32
    %max3A_325 = vector.broadcast %max3A_324 : f32 to vector<400x1024xf32>
    %max3A_326 = arith.maximumf %add3A_323, %max3A_325 : vector<400x1024xf32>
    %get3A_327 = arith.constant 0 : index
    %get3A_328 = arith.constant 0 : index
    %get3A_329 = vector.load %arg9[%get3A_327, %get3A_328] : memref<400x1xf32, #tpu.memory_space<vmem>>, vector<400x1xf32>
    %dot_general3A_330 = arith.constant dense<0.000000e+00> : vector<1x1024xf32>
    %dot_general3A_331 = tpu.matmul %get3A_329, %max3A_326, %dot_general3A_330 {dimension_numbers = #tpu.dot_dimension_numbers<[0], [0], [1], [1], [0, 1, 1, 1], [], []>, transpose_lhs_hint = false} : vector<400x1xf32>, vector<400x1024xf32>, vector<1x1024xf32> -> vector<1x1024xf32>
    %get3A_332 = arith.constant 0 : index
    %get3A_333 = arith.constant 0 : index
    %get3A_334 = vector.load %arg10[%get3A_332, %get3A_333] : memref<1x1xf32, #tpu.memory_space<vmem>>, vector<1x1xf32>
    %add3A_335 = vector.broadcast %get3A_334 : vector<1x1xf32> to vector<1x1024xf32>
    %add3A_336 = arith.addf %dot_general3A_331, %add3A_335 : vector<1x1024xf32>
    %logistic3A = arith.negf %add3A_336 : vector<1x1024xf32>
    %logistic3A_337 = math.exp %logistic3A : vector<1x1024xf32>
    %logistic3A_338 = arith.constant 1.000000e+00 : f32
    %logistic3A_339 = vector.broadcast %logistic3A_338 : f32 to vector<1x1024xf32>
    %logistic3A_340 = arith.addf %logistic3A_339, %logistic3A_337 : vector<1x1024xf32>
    %logistic3A_341 = arith.divf %logistic3A_339, %logistic3A_340 : vector<1x1024xf32>
    %transpose3A_342 = tpu.transpose %logistic3A_341, [1, 0] : vector<1x1024xf32> -> vector<1024x1xf32>
    %swap3A = arith.constant 0 : index
    %swap3A_343 = arith.constant 0 : index
    %swap3A_344 = vector.load %arg11[%swap3A, %swap3A_343] : memref<1024x1xf32, #tpu.memory_space<vmem>>, vector<1024x1xf32>
    tpu.vector_store %arg11[%swap3A, %swap3A_343], %transpose3A_342 {strides = array<i32>} : memref<1024x1xf32, #tpu.memory_space<vmem>>, vector<1024x1xf32>,
    return
  }
  func.func @transform_0(%arg0: i32) -> (i32, i32, i32) {
    %c0_i32 = arith.constant 0 : i32
    %c0_i32_0 = arith.constant 0 : i32
    %c0_i32_1 = arith.constant 0 : i32
    return %c0_i32, %arg0, %c0_i32_0 : i32, i32, i32
  }
  func.func @transform_1(%arg0: i32) -> (i32, i32) {
    %c0_i32 = arith.constant 0 : i32
    %c0_i32_0 = arith.constant 0 : i32
    %c0_i32_1 = arith.constant 0 : i32
    return %c0_i32, %c0_i32_0 : i32, i32
  }
  func.func @transform_2(%arg0: i32) -> (i32, i32) {
    %c0_i32 = arith.constant 0 : i32
    %c0_i32_0 = arith.constant 0 : i32
    %c0_i32_1 = arith.constant 0 : i32
    return %c0_i32, %c0_i32_0 : i32, i32
  }
  func.func @transform_3(%arg0: i32) -> (i32, i32) {
    %c0_i32 = arith.constant 0 : i32
    %c0_i32_0 = arith.constant 0 : i32
    %c0_i32_1 = arith.constant 0 : i32
    return %c0_i32, %c0_i32_0 : i32, i32
  }
  func.func @transform_4(%arg0: i32) -> (i32, i32) {
    %c0_i32 = arith.constant 0 : i32
    %c0_i32_0 = arith.constant 0 : i32
    %c0_i32_1 = arith.constant 0 : i32
    return %c0_i32, %c0_i32_0 : i32, i32
  }
  func.func @transform_5(%arg0: i32) -> (i32, i32) {
    %c0_i32 = arith.constant 0 : i32
    %c0_i32_0 = arith.constant 0 : i32
    %c0_i32_1 = arith.constant 0 : i32
    return %c0_i32, %c0_i32_0 : i32, i32
  }
  func.func @transform_6(%arg0: i32) -> (i32, i32) {
    %c0_i32 = arith.constant 0 : i32
    %c0_i32_0 = arith.constant 0 : i32
    %c0_i32_1 = arith.constant 0 : i32
    return %c0_i32, %c0_i32_0 : i32, i32
  }
  func.func @transform_7(%arg0: i32) -> (i32, i32) {
    %c0_i32 = arith.constant 0 : i32
    %c0_i32_0 = arith.constant 0 : i32
    %c0_i32_1 = arith.constant 0 : i32
    return %c0_i32, %c0_i32_0 : i32, i32
  }
  func.func @transform_8(%arg0: i32) -> (i32, i32) {
    %c0_i32 = arith.constant 0 : i32
    %c0_i32_0 = arith.constant 0 : i32
    %c0_i32_1 = arith.constant 0 : i32
    return %c0_i32, %c0_i32_0 : i32, i32
  }
  func.func @transform_9(%arg0: i32) -> (i32, i32) {
    %c0_i32 = arith.constant 0 : i32
    %c0_i32_0 = arith.constant 0 : i32
    %c0_i32_1 = arith.constant 0 : i32
    return %c0_i32, %c0_i32_0 : i32, i32
  }
  func.func @transform_10(%arg0: i32) -> (i32, i32) {
    %c0_i32 = arith.constant 0 : i32
    %c0_i32_0 = arith.constant 0 : i32
    return %arg0, %c0_i32 : i32, i32
  }
}

</mosaic_0001>

<sc_bundles>
// kernel: gather_offload_async_start
scs
__scs_entry_jumppad:
0x0: {  	(pc) =	sbr.rel $0x88, $3  }
0x1: {  	(tag) =	ssettag $0x0;
	lr =	simm.s32 $0x1  }
0x2: {  	[smem:$0x3F95] =	sst lr;
	_ =	strace $0xD0000000  }
0x3: {  	_ = 	snop  }
0x4: {  	_ = 	snop  }
0x5: {  	_ = 	snop  }
0x6: {  	_ = 	snop  }
0x7: {  	_ = 	snop  }
__scs_overlays_trampoline_lowered:
0x8: {  	[smem:$0x3FA4] =	sst s0  }
0x9: {  	[smem:$0x3FA5] =	sst s1  }
0xa: {  	[smem:$0x3FA6] =	sst s2  }
0xb: {  	[smem:$0x3FA7] =	sst s3  }
0xc: {  	[smem:$0x3FA8] =	sst s4  }
0xd: {  	[smem:$0x3FA9] =	sst s5  }
0xe: {  	[smem:$0x3FAA] =	sst s6  }
0xf: {  	[smem:$0x3FAB] =	sst s7  }
0x10: {  	[smem:$0x3FAC] =	sst s8  }
0x11: {  	[smem:$0x3FAD] =	sst s9;
	s0 =	simm.s32 @!p0 $0x0  }
0x12: {  	s1 =	sld [smem:$0x3F93];
	s0 =	simm.s32 @p0 $0x1  }
0x13: {  	[smem:$0x3FAE] =	sst s0;
	s0 =	simm.s32 @!p1 $0x0  }
0x14: {  	s2 =	sld [smem:$0x3F92];
	s0 =	simm.s32 @p1 $0x1  }
0x15: {  	[smem:$0x3FAF] =	sst s0;
	s0 =	simm.s32 @!p2 $0x0  }
0x16: {  	s3 =	sld [smem:$0x3FDB];
	s0 =	simm.s32 @p2 $0x1  }
0x17: {  	s4 =	simm.s32 $0x1BF5;
	[smem:$0x3FB1] =	sst s0  }
0x18: {  	s0 =	sld [smem:$0x3F94];
	_ =	swait.ge [sflag:s4], $0x0  }
0x19: {  	s7 =	sld [smem:$0x3F95]  }
0x1a: {  	s8 =	sadd.s32 $0xFFFFE003, lr  }
0x1b: {  	s9 =	sadd.s32 $0xFFFFFEF7, lr;
	s5 =	simm.s32 $0xFFFFFFFF;
	p2 =	slt.u32 s8, $0xFFFFF086  }
0x1c: {  	p1 =	slt.u32 s9, $0xF7A;
	s5 =	simm.s32 @!p2 $0x0  }
0x1d: {  	s5 =	simm.s32 @p1 $0x1;
	p0 =	seq.s32 s7, s2  }
0x1e: {  	s7 =	smul.u32 @!p0 $0xF7A, s2;
	p2 =	seq.s32 @!p0 s5, $0x0  }
0x1f: {  	s9 =	smul.u32 $0xF7A, s1;
	s8 =	simm.s32 @!p0 $0x1BF5;
	p2 =	por !p2, p0  }
0x20: {  	[sflag:s8] =	ssyncset.s32 @!p0 $0xFFFFF086;
	s6 =	sadd.s32 @!p0 s3, s7;
	s7 =	simm.s32 @!p0 $0x108  }
0x21: {  	s3 =	sadd.s32 s3, s9;
	s6 =	sadd.s32 @!p0 $0x88, s6;
	s7 =	simm.s32 @p2 $0x1082  }
0x22: {  	[simem:s7], [sflag:s8] =	dma.local @!p0 [hbm:s6], $0xF7A  }
0x23: {  	s9 =	sor.u32 $0xD0000000, s2;
	s6 =	simm.s32 $0x108;
	_ =	swait.ge @!p0 [sflag:s8], $0x0  }
0x24: {  	s3 =	sadd.s32 $0x88, s3;
	s6 =	simm.s32 @!p1 $0x1082;
	[sflag:s4] =	ssyncset.s32 $0xFFFFF086  }
0x25: {  	[simem:s6], [sflag:s4] =	dma.local [hbm:s3], $0xF7A  }
0x26: {  	[smem:$0x3F95] =	sst s1;
	(tag) =	ssettag s2;
	_ =	strace s9  }
0x27: {  	s1 =	sld [smem:$0x3FA5]  }
0x28: {  	s2 =	sld [smem:$0x3FA6]  }
0x29: {  	s4 =	sld [smem:$0x3FA8]  }
0x2a: {  	p0 =	seq.s32 s5, $0x0;
	s5 =	sld [smem:$0x3FA9]  }
0x2b: {  	s6 =	sld [smem:$0x3FAA]  }
0x2c: {  	s7 =	sld [smem:$0x3FAB]  }
0x2d: {  	s3 =	simm.s32 $0x108;
	s8 =	sld [smem:$0x3FAC]  }
0x2e: {  	s3 =	simm.s32 @!p0 $0x1082;
	s9 =	sld [smem:$0x3FAD]  }
0x2f: {  	lr =	sadd.s32 s0, s3;
	s0 =	sld [smem:$0x3FA4]  }
0x30: {  	s3 =	sld [smem:$0x3FA7]  }
0x31: {  	[smem:$0x3FB0] =	sst s10  }
0x32: {  	s10 =	sld [smem:$0x3FAE];
	_ =	sdelay $0x3  }
0x33: {  	p0 =	seq.s32 s10, $0x1;
	s10 =	sld [smem:$0x3FB0];
	_ =	sdelay $0x3  }
0x34: {  	[smem:$0x3FB0] =	sst s10  }
0x35: {  	s10 =	sld [smem:$0x3FAF];
	_ =	sdelay $0x3  }
0x36: {  	p1 =	seq.s32 s10, $0x1;
	s10 =	sld [smem:$0x3FB0];
	_ =	sdelay $0x3  }
0x37: {  	[smem:$0x3FB0] =	sst s10  }
0x38: {  	s10 =	sld [smem:$0x3FB1]  }
0x39: {  	_ = 	snop;
	(pc) =	sbr.ind lr, $3  }
0x3a: {  	_ = 	snop  }
0x3b: {  	_ = 	snop  }
0x3c: {  	p2 =	seq.s32 s10, $0x1;
	s10 =	sld [smem:$0x3FB0]  }
0x3d: {  	_ =	shalt  }
0x3e: {  	_ =	shalt  }
0x3f: {  	_ =	shalt  }
0x40: {  	_ =	shalt  }
0x41: {  	_ =	shalt  }
0x42: {  	_ =	shalt  }
0x43: {  	_ =	shalt  }
0x44: {  	_ =	shalt  }
0x45: {  	_ =	shalt  }
0x46: {  	_ =	shalt  }
0x47: {  	_ =	shalt  }
0x48: {  	_ =	shalt  }
0x49: {  	_ =	shalt  }
0x4a: {  	_ =	shalt  }
0x4b: {  	_ =	shalt  }
0x4c: {  	_ =	shalt  }
0x4d: {  	_ =	shalt  }
0x4e: {  	_ =	shalt  }
0x4f: {  	_ =	shalt  }
0x50: {  	_ =	shalt  }
0x51: {  	_ =	shalt  }
0x52: {  	_ =	shalt  }
0x53: {  	_ =	shalt  }
0x54: {  	_ =	shalt  }
0x55: {  	_ =	shalt  }
0x56: {  	_ =	shalt  }
0x57: {  	_ =	shalt  }
0x58: {  	_ =	shalt  }
0x59: {  	_ =	shalt  }
0x5a: {  	_ =	shalt  }
0x5b: {  	_ =	shalt  }
0x5c: {  	_ =	shalt  }
0x5d: {  	_ =	shalt  }
0x5e: {  	_ =	shalt  }
0x5f: {  	_ =	shalt  }
0x60: {  	_ =	shalt  }
0x61: {  	_ =	shalt  }
0x62: {  	_ =	shalt  }
0x63: {  	_ =	shalt  }
0x64: {  	_ =	shalt  }
0x65: {  	_ =	shalt  }
0x66: {  	_ =	shalt  }
0x67: {  	_ =	shalt  }
0x68: {  	_ =	shalt  }
0x69: {  	_ =	shalt  }
0x6a: {  	_ =	shalt  }
0x6b: {  	_ =	shalt  }
0x6c: {  	_ =	shalt  }
0x6d: {  	_ =	shalt  }
0x6e: {  	_ =	shalt  }
0x6f: {  	_ =	shalt  }
0x70: {  	_ =	shalt  }
0x71: {  	_ =	shalt  }
0x72: {  	_ =	shalt  }
0x73: {  	_ =	shalt  }
0x74: {  	_ =	shalt  }
0x75: {  	_ =	shalt  }
0x76: {  	_ =	shalt  }
0x77: {  	_ =	shalt  }
0x78: {  	_ =	shalt  }
0x79: {  	_ =	shalt  }
0x7a: {  	_ =	shalt  }
0x7b: {  	_ =	shalt  }
0x7c: {  	_ =	shalt  }
0x7d: {  	_ =	shalt  }
0x7e: {  	_ =	shalt  }
0x7f: {  	_ =	shalt  }
0x80: {  	_ =	shalt  }
0x81: {  	_ =	shalt  }
0x82: {  	_ =	shalt  }
0x83: {  	_ =	shalt  }
0x84: {  	_ =	shalt  }
0x85: {  	_ =	shalt  }
0x86: {  	_ =	shalt  }
0x87: {  	_ =	shalt  }
.Lfunc_end0:
.L_simem_size_0:
called_computation_lowered:
.L_overlay_start_0:
0x88: {  	s2 =	sld [smem:$0x3FD9]  }
0x89: {  	s3 =	sld [smem:$0x3FFE];
	_ =	sdelay $0x1  }
0x8a: {  	s1 =	srdreg.scid  }
0x8b: {  	s0 =	sand.u32 $0x1, s1  }
0x8c: {  	s16 =	sshll.u32 s0, $0xA;
	s2 =	sadd.s32 s3, s2  }
0x8d: {  	s2 =	sadd.s32 s2, s16  }
0x8e: {  	[smem:$0x3FBC] =	sst s2  }
0x8f: {  	_ = 	snop  }
0x90: {  	(tm) =	ssettm $0x1  }
0x91: {  	s17 =	sld [smem:$0x3FFB];
	_ =	sdelay $0x3  }
0x92: {  	_ =	strace s17  }
0x93: {  	s2 =	sld [smem:$0x3FFC];
	_ =	sdelay $0x3  }
0x94: {  	_ =	strace s2  }
0x95: {  	s2 =	sld [smem:$0x3FFD];
	_ =	sdelay $0x3  }
0x96: {  	_ =	strace s2  }
0x97: {  	_ =	strace $0x8FFFFFFF  }
0x98: {  	s18 =	sld [smem:$0x3FDB];
	_ =	sdelay $0x1  }
0x99: {  	s19 =	simm.s32 $_scs_section_size  }
0x9a: {  	s4 =	simm.s32 $_size__tile_overlayer_lowered;
	s5 =	simm.s32 $_tile_overlayer_lowered  }
0x9b: {  	s22 =	simm.s32 $0x1BFF;
	s21 =	sshll.u32 s5, $0x1;
	s2 =	sadd.s32 s19, s18  }
0x9c: {  	s6 =	simm.s32 $0x0;
	s20 =	sshll.u32 s4, $0x1;
	s4 =	sadd.s32 s21, s2  }
0x9d: {  	[timem:s6], [sflag:s22] =	dma.local [hbm:s4], s20  }
0x9e: {  	_ =	swait.ge [sflag:s22], s20  }
0x9f: {  	s3 =	ssub.s32 $0x0, s20;
	[sflag:s22] =	ssyncset.done $0x0  }
0xa0: {  	[sflag:s22] =	ssyncadd.s32 s3;
	_ =	sdelay $0x1  }
0xa1: {  	s23 =	simm.s32 $0x1B8B  }
0xa2: {  	_ =	swait.ge [sflag:s23], $0x1  }
0xa3: {  	[sflag:s23] =	ssyncset.done $0x0  }
0xa4: {  	s25 =	simm.s32 $0x1B8E;
	s24 =	sld [smem:$0x3FFE];
	[sflag:s23] =	ssyncadd.s32 $0xFFFFFFFF  }
0xa5: {  	s26 =	simm.s32 $execute0_lowered;
	[smem:$0x3FD2] =	sst s25  }
0xa6: {  	s4 =	sshll.u32 s26, $0x1;
	_ =	strace $0x80000046;
	[dreg:$0x1] =	wrdreg $0xFFFFFFFF  }
0xa7: {  	s28 =	simm.s32 $_size_execute0_lowered;
	s2 =	sadd.s32 s2, s4;
	[dreg:$0x0] =	wrdreg $0x0  }
0xa8: {  	s4 =	sshll.u32 s28, $0x1;
	[dreg:$0x2] =	wrdreg s2  }
0xa9: {  	[dreg:$0x3] =	wrdreg s4  }
0xaa: {  	[dreg:$0x4] =	wrdreg $0xC0  }
0xab: {  	_ =	task [dreg:s6], $0x5FFFF  }
0xac: {  	[dreg:$0x1] =	wrdreg $0xFFFFFFFF  }
0xad: {  	[dreg:$0x0] =	wrdreg $0x60  }
0xae: {  	[dreg:$0x2] =	wrdreg s24  }
0xaf: {  	[dreg:$0x3] =	wrdreg $0x9  }
0xb0: {  	_ =	task.clear_ibuf [dreg:s6], $0x4FFFF;
	_ =	strace $0x90000046  }
0xb1: {  	s29 =	simm.s32 $0x9;
	_ =	strace $0x80000048  }
0xb2: {  	_ =	swait.ge [sflag:s29], $0x1  }
0xb3: {  	[sflag:s29] =	ssyncadd.s32 $0xFFFFFFFF  }
0xb4: {  	_ =	strace $0x90000048  }
0xb5: {  	_ =	sfence  }
0xb6: {  	s30 =	sld [smem:$0x0];
	_ =	sdelay $0x2  }
0xb7: {  	s31 =	sshll.u32 s1, $0xD;
	s1 =	sshrl.u32 s1, $0x2  }
0xb8: {  	s3 =	sand.u32 $0x4000, s31;
	s1 =	sadd.s32 s1, s30  }
0xb9: {  	s0 =	sor.u32 s3, s0;
	s1 =	sshll.u32 s1, $0x11  }
0xba: {  	s0 =	sor.u32 s1, s0  }
0xbb: {  	s0 =	sadd.s32 $0x8F2B, s0  }
0xbc: {  	[sflag:s0] =	ssyncadd.remote.s32 $0x1  }
0xbd: {  	_ =	sfence.sel $0xFFFF  }
0xbe: {  	[dreg:$0x0] =	wrdreg $0xFFFFFFFF;
	(pc) =	sbr.abs _section_cstart, $3  }
0xbf: {  	[dreg:$0x1] =	wrdreg $0xFFFFFFFF  }
0xc0: {  	_ =	task.clear_ibuf [dreg:s6], $0x2FFFF;
	_ =	strace $0x9FFFFFFF  }
0xc1: {  	(tm) =	ssettm $0x7FFFFFFF  }
tec
execute0_lowered:
.L_overlay_start_1:
0x0: {  	(tag) =	ssettag $0x1  }
0x1: {  	s0 =	srdreg.scid;
	s5 =	rddreg [dreg:$0x0]  }
0x2: {  	s1 =	stileid.u32;
	s6 =	simm.s32 $0x1;
	s9 =	simm.s32 $0x1  }
0x3: {  	s10 =	simm.s32 $0x3;
	s13 =	simm.s32 $0x0;
	s2 =	sshll.u32 s0, $0xB  }
0x4: {  	s12 =	simm.s32 $0x0;
	s3 =	sshll.u32 s1, $0xC;
	s4 =	sand.u32 $0x800, s2  }
0x5: {  	s0 =	rddreg [dreg:$0x1];
	_ =	strace $0x80000047;
	s3 =	sor.u32 s3, s4  }
0x6: {  	s2 =	sadd.s32 $0x3F9E00, s5;
	[sflag:s6] =	ssyncpa.u1 $0x0;
	s8 =	ssub.s32 $0x1A000, s3  }
.Ltmp0:
0x7: {  	s4 =	sadd.s32 $0x3FD200, s5;
	s7 =	sand.u32 $0xF800, s8;
	(pc) =	sbr.rel .LBB2_1-.Ltmp0, $4  }
0x8: {  	s5 =	sadd.s32 $0x400600, s5;
	s11 =	smov.u32 s3;
	p0 =	sne.s32 s7, $0x0  }
0x9: {  	s8 =	sshrl.u32 s8, $0x10;
	s7 =	simm.s32 $0x2;
	s9 =	simm.s32 @!p0 $0x0  }
0xa: {  	[sflag:s7] =	ssyncpa.u1 $0x0;
	p0 =	por $0x0, $0x0;
	s8 =	sadd.s32 s9, s8  }
0xb: {  	vm0 =	vmmov $0xffff;
	[sflag:s10] =	ssyncpa.u1 $0x0;
	s10 =	simm.s32 $0x0;
	s9 =	sadd.s32 $0x1, s8  }
.LBB2_4:
0xc: {  	v2 =	vnsel vm1, $0x0, v2  }
0xd: {  	vm1 =	vgt.s32 v0, $0x0;
	v2 =	vmin.u32 v2, $0x19FFF  }
0xe: {  	v0 =	vnsel vm1, $0x0, v0  }
0xf: {  	v0 =	vmin.u32 v0, $0x19FFF  }
0x10: {  	[tilespmem:s15], [sflag:$0x1] =	stream.indirect_vreg.gather [hbm4b:s2+s10], $0x1, v1, vm0, $0x4038;
	[tilespmem:$0x2000] =	vst v63  }
0x11: {  	(ifvalue) =	ssetifvalue $0x7FFFFFFF  }
0x12: {  	[tilespmem:s16], [sflag:$0x1] =	stream.indirect_vreg.gather [hbm4b:s2+s10], $0x1, v2, vm0, $0x4038;
	[tilespmem:$0x2000] =	vst v63  }
0x13: {  	s29 =	sadd.s32 $0x10, s16;
	(ifvalue) =	ssetifvalue $0x7FFFFFFF  }
0x14: {  	[tilespmem:s29], [sflag:$0x1] =	stream.indirect_vreg.gather [hbm4b:s2+s10], $0x1, v0, vm0, $0x4038;
	[tilespmem:$0x2000] =	vst v63  }
0x15: {  	_ =	swait.ge [sflag:s6], $0x800  }
0x16: {  	s30 =	sshrl.u32 s13, $0x3;
	[sflag:s6] =	ssyncset.done $0x0  }
0x17: {  	s31 =	sand.u32 $0x7, s13;
	s15 =	sadd.s32 s5, s30;
	[sflag:s6] =	ssyncadd.s32 $0xFFFFF800  }
0x18: {  	[hbm4b:s15+s31] =	stream.linear.scatter [tilespmem:s14], [sflag:$0x3], $0x800, $0x38;
	[tilespmem:$0x2000] =	vst v63  }
.LBB2_5:
0x19: {  	s15 =	sadd.s32 $0x10000, s11  }
0x1a: {  	p2 =	sgt.s32 s15, $0x19FFF  }
0x1b: {  	s15 =	smov.u32 @p2 s3;
	p2 =	sne.s32 s12, s9  }
.Ltmp1:
0x1c: {  	p1 =	slt.u32 s12, $0x2;
	(pc) =	sbr.rel @!p2 .LBB2_6-.Ltmp1, $4  }
0x1d: {  	s14 =	simm.s32 @!p1 $0x3  }
0x1e: {  	s16 =	sadd.s32 $0x1, s12;
	_ =	swait.ge @!p1 [sflag:s14], $0x800  }
0x1f: {  	s13 =	smov.u32 s11;
	p0 =	por !p0, !p0;
	[sflag:s14] =	ssyncset.done @!p1 $0x0  }
0x20: {  	s12 =	smov.u32 s16;
	s11 =	smov.u32 s15;
	[sflag:s14] =	ssyncadd.s32 @!p1 $0xFFFFF800  }
.LBB2_1:
0x21: {  	p1 =	sge.u32 s12, s8  }
0x22: {  	s14 =	sxor.u32 @!p1 $0xFFFFFFFF, s12  }
0x23: {  	s31 =	sadd.s32 $0xFFFFFFFF, s12;
	s15 =	sshrl.u32 @!p1 s11, $0x3;
	s14 =	sshll.u32 @!p1 s14, $0xB  }
0x24: {  	s16 =	sand.u32 @!p1 $0x7, s11;
	s15 =	sadd.s32 @!p1 s4, s15;
	s14 =	sand.u32 @!p1 $0x800, s14  }
0x25: {  	[tilespmem:s14], [sflag:$0x2] =	stream.linear.gather @!p1 [hbm4b:s15+s16], $0x800, $0x38;
	[tilespmem:$0x2000] =	vst v63  }
0x26: {  	p1 =	sge.u32 s31, s8  }
.Ltmp2:
0x27: {  	_ = 	snop;
	(pc) =	sbr.rel @p1 .LBB2_5-.Ltmp2, $1  }
0x28: {  	_ =	sdelay $0x3  }
0x29: {  	s14 =	simm.s32 $0x1  }
0x2a: {  	_ =	swait.ge [sflag:s7], $0x800;
	s14 =	simm.s32 @!p0 $0x0  }
0x2b: {  	[sflag:s7] =	ssyncset.done $0x0;
	s14 =	sshll.u32 s14, $0xB  }
0x2c: {  	[sflag:s7] =	ssyncadd.s32 $0xFFFFF800;
	(ifvalue) =	ssetifvalue $0x7FFFFFFF;
	v0 =	vld.msk [tilespmem:s14+$0x0 ss:$0x1], $0xffff;
	_ =	sdelay $0x4  }
0x2d: {  	s15 =	sadd.s32 $0x10, s14;
	vm1 =	vgt.s32 v0, $0x0  }
0x2e: {  	v2 =	vld.msk [tilespmem:s15+$0x0 ss:$0x1], $0xffff;
	v1 =	vnsel vm1, $0x0, v0  }
0x2f: {  	v1 =	vmin.u32 v1, $0x19FFF;
	_ =	sdelay $0x1  }
0x30: {  	s16 =	sshll.u32 s12, $0xB;
	s18 =	simm.s32 $0x20  }
0x31: {  	s16 =	sand.u32 $0x800, s16;
	s17 =	sadd.s32 $0x10, s15;
	s15 =	sor.u32 $0x1000, s14  }
0x32: {  	s14 =	sor.u32 $0x1000, s16;
	s16 =	sadd.s32 $0x10, s15;
	v0 =	vld.msk [tilespmem:s17+$0x0 ss:$0x1], $0xffff;
	vm1 =	vgt.s32 v2, $0x0;
	(ifvalue) =	ssetifvalue $0x7FFFFFFF  }
.LBB2_3:
0x33: {  	[tilespmem:s15], [sflag:$0x1] =	stream.indirect_vreg.gather [hbm4b:s2+s10], $0x1, v1, vm0, $0x4038;
	[tilespmem:$0x2000] =	vst v63  }
0x34: {  	s18 =	sadd.s32 $0x10, s18  }
0x35: {  	v2 =	vnsel vm1, $0x0, v2;
	p1 =	slt.u32 s18, $0x7F0  }
.Ltmp3:
0x36: {  	s15 =	smov.u32 s16;
	v1 =	vmin.u32 v2, $0x19FFF;
	(pc) =	sbr.rel @p1 .LBB2_3-.Ltmp3, $3  }
0x37: {  	_ =	sdelay $0x1  }
0x38: {  	s17 =	sadd.s32 $0x10, s17  }
0x39: {  	vm1 =	vgt.s32 v0, $0x0;
	s16 =	sadd.s32 $0x10, s16;
	v2 =	vmov v0;
	(ifvalue) =	ssetifvalue $0x7FFFFFFF;
	v0 =	vld.msk [tilespmem:s17+$0x0 ss:$0x1], $0xffff  }
.Ltmp4:
0x3a: {  	_ = 	snop;
	(pc) =	sbr.rel .LBB2_4-.Ltmp4, $1  }
0x3b: {  	_ =	sdelay $0x3  }
.LBB2_6:
0x3c: {  	_ =	sfence.sel $0x180000  }
0x3d: {  	s2 =	simm.s32 $0x2;
	[bflag:$0x0] =	sbarrier.arrive $0xFFFF  }
0x3e: {  	s30 =	simm.s32 $0x3;
	[sflag:s2] =	ssyncpa.u1 $0x1  }
0x3f: {  	s31 =	simm.s32 $0x1;
	[sflag:s30] =	ssyncpa.u1 $0x1  }
0x40: {  	[sflag:s31] =	ssyncpa.u1 $0x1  }
0x41: {  	p0 =	sne.s32 s1, $0x0;
	_ =	strace $0x90000047  }
0x42: {  	s0 =	sadd.s32 @!p0 $0x100000, s0;
	[bflag:$0x2] =	sbarrier.arrive $0xFFFF  }
0x43: {  	[sflag:s0] =	ssyncadd.tile.s32 @!p0 $0x1;
	_ =	shalt  }
.Lfunc_end2:
_tile_overlayer_lowered:
.L_overlay_start_2:
0x44: {  	(tag) =	ssettag $0x2  }
0x45: {  	s0 =	rddreg [dreg:$0x0];
	s2 =	stileid.u32  }
0x46: {  	s1 =	rddreg [dreg:$0x1];
	p0 =	sne.s32 s2, $0x0  }
0x47: {  	s3 =	rddreg [dreg:$0x2];
	[bflag:$0x3] =	sbarrier.arrive $0xFFFF;
	s2 =	simm.s32 @!p0 $0x1C01  }
0x48: {  	[timem:s3], [sflag:s2] =	dma.local @!p0 [hbm:s0], s1  }
0x49: {  	s0 =	simm.s32 @!p0 $0x1  }
0x4a: {  	_ =	swait.ge @!p0 [sflag:s0], s1  }
0x4b: {  	s1 =	ssub.s32 @!p0 $0x0, s1;
	[sflag:s0] =	ssyncset.done @!p0 $0x0  }
0x4c: {  	[sflag:s0] =	ssyncadd.s32 @!p0 s1  }
0x4d: {  	[bflag:$0x3] =	sbarrier.arrive $0xFFFF  }
0x4e: {  	_ =	shalt  }

// kernel: kernel.4.cloned.1.call-start
scs
__scs_entry_jumppad:
0x0: {  	(pc) =	sbr.rel $0x88, $3  }
0x1: {  	(tag) =	ssettag $0x0;
	lr =	simm.s32 $0x1  }
0x2: {  	[smem:$0x3F95] =	sst lr;
	_ =	strace $0xD0000000  }
0x3: {  	_ = 	snop  }
0x4: {  	_ = 	snop  }
0x5: {  	_ = 	snop  }
0x6: {  	_ = 	snop  }
0x7: {  	_ = 	snop  }
__scs_overlays_trampoline_lowered:
0x8: {  	[smem:$0x3FA4] =	sst s0  }
0x9: {  	[smem:$0x3FA5] =	sst s1  }
0xa: {  	[smem:$0x3FA6] =	sst s2  }
0xb: {  	[smem:$0x3FA7] =	sst s3  }
0xc: {  	[smem:$0x3FA8] =	sst s4  }
0xd: {  	[smem:$0x3FA9] =	sst s5  }
0xe: {  	[smem:$0x3FAA] =	sst s6  }
0xf: {  	[smem:$0x3FAB] =	sst s7  }
0x10: {  	[smem:$0x3FAC] =	sst s8  }
0x11: {  	[smem:$0x3FAD] =	sst s9;
	s0 =	simm.s32 @!p0 $0x0  }
0x12: {  	s1 =	sld [smem:$0x3F93];
	s0 =	simm.s32 @p0 $0x1  }
0x13: {  	[smem:$0x3FAE] =	sst s0;
	s0 =	simm.s32 @!p1 $0x0  }
0x14: {  	s2 =	sld [smem:$0x3F92];
	s0 =	simm.s32 @p1 $0x1  }
0x15: {  	[smem:$0x3FAF] =	sst s0;
	s0 =	simm.s32 @!p2 $0x0  }
0x16: {  	s3 =	sld [smem:$0x3FDB];
	s0 =	simm.s32 @p2 $0x1  }
0x17: {  	s4 =	simm.s32 $0x1BF5;
	[smem:$0x3FB1] =	sst s0  }
0x18: {  	s0 =	sld [smem:$0x3F94];
	_ =	swait.ge [sflag:s4], $0x0  }
0x19: {  	s7 =	sld [smem:$0x3F95]  }
0x1a: {  	s8 =	sadd.s32 $0xFFFFE003, lr  }
0x1b: {  	s9 =	sadd.s32 $0xFFFFFEF7, lr;
	s5 =	simm.s32 $0xFFFFFFFF;
	p2 =	slt.u32 s8, $0xFFFFF086  }
0x1c: {  	p1 =	slt.u32 s9, $0xF7A;
	s5 =	simm.s32 @!p2 $0x0  }
0x1d: {  	s5 =	simm.s32 @p1 $0x1;
	p0 =	seq.s32 s7, s2  }
0x1e: {  	s7 =	smul.u32 @!p0 $0xF7A, s2;
	p2 =	seq.s32 @!p0 s5, $0x0  }
0x1f: {  	s9 =	smul.u32 $0xF7A, s1;
	s8 =	simm.s32 @!p0 $0x1BF5;
	p2 =	por !p2, p0  }
0x20: {  	[sflag:s8] =	ssyncset.s32 @!p0 $0xFFFFF086;
	s6 =	sadd.s32 @!p0 s3, s7;
	s7 =	simm.s32 @!p0 $0x108  }
0x21: {  	s3 =	sadd.s32 s3, s9;
	s6 =	sadd.s32 @!p0 $0x88, s6;
	s7 =	simm.s32 @p2 $0x1082  }
0x22: {  	[simem:s7], [sflag:s8] =	dma.local @!p0 [hbm:s6], $0xF7A  }
0x23: {  	s9 =	sor.u32 $0xD0000000, s2;
	s6 =	simm.s32 $0x108;
	_ =	swait.ge @!p0 [sflag:s8], $0x0  }
0x24: {  	s3 =	sadd.s32 $0x88, s3;
	s6 =	simm.s32 @!p1 $0x1082;
	[sflag:s4] =	ssyncset.s32 $0xFFFFF086  }
0x25: {  	[simem:s6], [sflag:s4] =	dma.local [hbm:s3], $0xF7A  }
0x26: {  	[smem:$0x3F95] =	sst s1;
	(tag) =	ssettag s2;
	_ =	strace s9  }
0x27: {  	s1 =	sld [smem:$0x3FA5]  }
0x28: {  	s2 =	sld [smem:$0x3FA6]  }
0x29: {  	s4 =	sld [smem:$0x3FA8]  }
0x2a: {  	p0 =	seq.s32 s5, $0x0;
	s5 =	sld [smem:$0x3FA9]  }
0x2b: {  	s6 =	sld [smem:$0x3FAA]  }
0x2c: {  	s7 =	sld [smem:$0x3FAB]  }
0x2d: {  	s3 =	simm.s32 $0x108;
	s8 =	sld [smem:$0x3FAC]  }
0x2e: {  	s3 =	simm.s32 @!p0 $0x1082;
	s9 =	sld [smem:$0x3FAD]  }
0x2f: {  	lr =	sadd.s32 s0, s3;
	s0 =	sld [smem:$0x3FA4]  }
0x30: {  	s3 =	sld [smem:$0x3FA7]  }
0x31: {  	[smem:$0x3FB0] =	sst s10  }
0x32: {  	s10 =	sld [smem:$0x3FAE];
	_ =	sdelay $0x3  }
0x33: {  	p0 =	seq.s32 s10, $0x1;
	s10 =	sld [smem:$0x3FB0];
	_ =	sdelay $0x3  }
0x34: {  	[smem:$0x3FB0] =	sst s10  }
0x35: {  	s10 =	sld [smem:$0x3FAF];
	_ =	sdelay $0x3  }
0x36: {  	p1 =	seq.s32 s10, $0x1;
	s10 =	sld [smem:$0x3FB0];
	_ =	sdelay $0x3  }
0x37: {  	[smem:$0x3FB0] =	sst s10  }
0x38: {  	s10 =	sld [smem:$0x3FB1]  }
0x39: {  	_ = 	snop;
	(pc) =	sbr.ind lr, $3  }
0x3a: {  	_ = 	snop  }
0x3b: {  	_ = 	snop  }
0x3c: {  	p2 =	seq.s32 s10, $0x1;
	s10 =	sld [smem:$0x3FB0]  }
0x3d: {  	_ =	shalt  }
0x3e: {  	_ =	shalt  }
0x3f: {  	_ =	shalt  }
0x40: {  	_ =	shalt  }
0x41: {  	_ =	shalt  }
0x42: {  	_ =	shalt  }
0x43: {  	_ =	shalt  }
0x44: {  	_ =	shalt  }
0x45: {  	_ =	shalt  }
0x46: {  	_ =	shalt  }
0x47: {  	_ =	shalt  }
0x48: {  	_ =	shalt  }
0x49: {  	_ =	shalt  }
0x4a: {  	_ =	shalt  }
0x4b: {  	_ =	shalt  }
0x4c: {  	_ =	shalt  }
0x4d: {  	_ =	shalt  }
0x4e: {  	_ =	shalt  }
0x4f: {  	_ =	shalt  }
0x50: {  	_ =	shalt  }
0x51: {  	_ =	shalt  }
0x52: {  	_ =	shalt  }
0x53: {  	_ =	shalt  }
0x54: {  	_ =	shalt  }
0x55: {  	_ =	shalt  }
0x56: {  	_ =	shalt  }
0x57: {  	_ =	shalt  }
0x58: {  	_ =	shalt  }
0x59: {  	_ =	shalt  }
0x5a: {  	_ =	shalt  }
0x5b: {  	_ =	shalt  }
0x5c: {  	_ =	shalt  }
0x5d: {  	_ =	shalt  }
0x5e: {  	_ =	shalt  }
0x5f: {  	_ =	shalt  }
0x60: {  	_ =	shalt  }
0x61: {  	_ =	shalt  }
0x62: {  	_ =	shalt  }
0x63: {  	_ =	shalt  }
0x64: {  	_ =	shalt  }
0x65: {  	_ =	shalt  }
0x66: {  	_ =	shalt  }
0x67: {  	_ =	shalt  }
0x68: {  	_ =	shalt  }
0x69: {  	_ =	shalt  }
0x6a: {  	_ =	shalt  }
0x6b: {  	_ =	shalt  }
0x6c: {  	_ =	shalt  }
0x6d: {  	_ =	shalt  }
0x6e: {  	_ =	shalt  }
0x6f: {  	_ =	shalt  }
0x70: {  	_ =	shalt  }
0x71: {  	_ =	shalt  }
0x72: {  	_ =	shalt  }
0x73: {  	_ =	shalt  }
0x74: {  	_ =	shalt  }
0x75: {  	_ =	shalt  }
0x76: {  	_ =	shalt  }
0x77: {  	_ =	shalt  }
0x78: {  	_ =	shalt  }
0x79: {  	_ =	shalt  }
0x7a: {  	_ =	shalt  }
0x7b: {  	_ =	shalt  }
0x7c: {  	_ =	shalt  }
0x7d: {  	_ =	shalt  }
0x7e: {  	_ =	shalt  }
0x7f: {  	_ =	shalt  }
0x80: {  	_ =	shalt  }
0x81: {  	_ =	shalt  }
0x82: {  	_ =	shalt  }
0x83: {  	_ =	shalt  }
0x84: {  	_ =	shalt  }
0x85: {  	_ =	shalt  }
0x86: {  	_ =	shalt  }
0x87: {  	_ =	shalt  }
.Lfunc_end0:
.L_simem_size_0:
called_computation.1_lowered:
.L_overlay_start_0:
0x88: {  	s2 =	sld [smem:$0x3FD9]  }
0x89: {  	s3 =	sld [smem:$0x3FFE];
	_ =	sdelay $0x1  }
0x8a: {  	s1 =	srdreg.scid  }
0x8b: {  	s0 =	sand.u32 $0x1, s1  }
0x8c: {  	s16 =	sshll.u32 s0, $0xA;
	s2 =	sadd.s32 s3, s2  }
0x8d: {  	s2 =	sadd.s32 s2, s16  }
0x8e: {  	[smem:$0x3FBC] =	sst s2  }
0x8f: {  	_ = 	snop  }
0x90: {  	(tm) =	ssettm $0x1  }
0x91: {  	s17 =	sld [smem:$0x3FFB];
	_ =	sdelay $0x3  }
0x92: {  	_ =	strace s17  }
0x93: {  	s2 =	sld [smem:$0x3FFC];
	_ =	sdelay $0x3  }
0x94: {  	_ =	strace s2  }
0x95: {  	s2 =	sld [smem:$0x3FFD];
	_ =	sdelay $0x3  }
0x96: {  	_ =	strace s2  }
0x97: {  	_ =	strace $0x8FFFFFFF  }
0x98: {  	s18 =	sld [smem:$0x3FDB];
	_ =	sdelay $0x1  }
0x99: {  	s19 =	simm.s32 $_scs_section_size  }
0x9a: {  	s4 =	simm.s32 $_size__tile_overlayer_lowered;
	s5 =	simm.s32 $_tile_overlayer_lowered  }
0x9b: {  	s22 =	simm.s32 $0x1BFF;
	s21 =	sshll.u32 s5, $0x1;
	s2 =	sadd.s32 s19, s18  }
0x9c: {  	s6 =	simm.s32 $0x0;
	s20 =	sshll.u32 s4, $0x1;
	s4 =	sadd.s32 s21, s2  }
0x9d: {  	[timem:s6], [sflag:s22] =	dma.local [hbm:s4], s20  }
0x9e: {  	_ =	swait.ge [sflag:s22], s20  }
0x9f: {  	s3 =	ssub.s32 $0x0, s20;
	[sflag:s22] =	ssyncset.done $0x0  }
0xa0: {  	[sflag:s22] =	ssyncadd.s32 s3;
	_ =	sdelay $0x1  }
0xa1: {  	s23 =	simm.s32 $0x1B8B  }
0xa2: {  	_ =	swait.ge [sflag:s23], $0x1  }
0xa3: {  	[sflag:s23] =	ssyncset.done $0x0  }
0xa4: {  	s25 =	simm.s32 $0x1B8E;
	s24 =	sld [smem:$0x3FFE];
	[sflag:s23] =	ssyncadd.s32 $0xFFFFFFFF  }
0xa5: {  	s26 =	simm.s32 $execute0_lowered;
	[smem:$0x3FD2] =	sst s25  }
0xa6: {  	s4 =	sshll.u32 s26, $0x1;
	_ =	strace $0x80000049;
	[dreg:$0x1] =	wrdreg $0xFFFFFFFF  }
0xa7: {  	s28 =	simm.s32 $_size_execute0_lowered;
	s2 =	sadd.s32 s2, s4;
	[dreg:$0x0] =	wrdreg $0x0  }
0xa8: {  	s4 =	sshll.u32 s28, $0x1;
	[dreg:$0x2] =	wrdreg s2  }
0xa9: {  	[dreg:$0x3] =	wrdreg s4  }
0xaa: {  	[dreg:$0x4] =	wrdreg $0xC0  }
0xab: {  	_ =	task [dreg:s6], $0x5FFFF  }
0xac: {  	[dreg:$0x1] =	wrdreg $0xFFFFFFFF  }
0xad: {  	[dreg:$0x0] =	wrdreg $0x60  }
0xae: {  	[dreg:$0x2] =	wrdreg s24  }
0xaf: {  	[dreg:$0x3] =	wrdreg $0x9  }
0xb0: {  	_ =	task.clear_ibuf [dreg:s6], $0x4FFFF;
	_ =	strace $0x90000049  }
0xb1: {  	s29 =	simm.s32 $0x9;
	_ =	strace $0x8000004B  }
0xb2: {  	_ =	swait.ge [sflag:s29], $0x1  }
0xb3: {  	[sflag:s29] =	ssyncadd.s32 $0xFFFFFFFF  }
0xb4: {  	_ =	strace $0x9000004B  }
0xb5: {  	_ =	sfence  }
0xb6: {  	s30 =	sld [smem:$0x0];
	_ =	sdelay $0x2  }
0xb7: {  	s31 =	sshll.u32 s1, $0xD;
	s1 =	sshrl.u32 s1, $0x2  }
0xb8: {  	s3 =	sand.u32 $0x4000, s31;
	s1 =	sadd.s32 s1, s30  }
0xb9: {  	s0 =	sor.u32 s3, s0;
	s1 =	sshll.u32 s1, $0x11  }
0xba: {  	s0 =	sor.u32 s1, s0  }
0xbb: {  	s0 =	sadd.s32 $0x8F2B, s0  }
0xbc: {  	[sflag:s0] =	ssyncadd.remote.s32 $0x1  }
0xbd: {  	_ =	sfence.sel $0xFFFF  }
0xbe: {  	[dreg:$0x0] =	wrdreg $0xFFFFFFFF;
	(pc) =	sbr.abs _section_cstart, $3  }
0xbf: {  	[dreg:$0x1] =	wrdreg $0xFFFFFFFF  }
0xc0: {  	_ =	task.clear_ibuf [dreg:s6], $0x2FFFF;
	_ =	strace $0x9FFFFFFF  }
0xc1: {  	(tm) =	ssettm $0x7FFFFFFF  }
tec
execute0_lowered:
.L_overlay_start_1:
0x0: {  	(tag) =	ssettag $0x1  }
0x1: {  	s0 =	srdreg.scid  }
0x2: {  	s20 =	stileid.u32;
	s3 =	rddreg [dreg:$0x0]  }
0x3: {  	s2 =	simm.s32 $0x0;
	s13 =	simm.s32 $0x100;
	s14 =	simm.s32 $0x180  }
0x4: {  	s8 =	simm.s32 $0x2D00;
	s15 =	simm.s32 $0x200;
	s9 =	simm.s32 $0x4D00  }
0x5: {  	s16 =	simm.s32 $0x280;
	s10 =	simm.s32 $0x6D00;
	s17 =	simm.s32 $0x300  }
0x6: {  	s18 =	simm.s32 $0x380;
	s19 =	simm.s32 $0x400;
	[smem:$0x7FF] =	sst s2  }
0x7: {  	s21 =	simm.s32 $0x480;
	_ =	strace $0x8000004A;
	[dreg:$0x5] =	wrdreg s13  }
0x8: {  	s22 =	simm.s32 $0x500;
	s23 =	simm.s32 $0x580;
	[dreg:$0x6] =	wrdreg s14  }
0x9: {  	s24 =	simm.s32 $0x600;
	s25 =	simm.s32 $0x680;
	[dreg:$0x7] =	wrdreg s15  }
0xa: {  	s26 =	simm.s32 $0x700;
	p0 =	por $0x0, $0x0;
	[dreg:$0x8] =	wrdreg s16  }
0xb: {  	s28 =	simm.s32 $0xA80;
	s29 =	simm.s32 $0xB00;
	[dreg:$0x9] =	wrdreg s17  }
0xc: {  	s30 =	simm.s32 $0xB80;
	s31 =	simm.s32 $0xC00;
	[dreg:$0xa] =	wrdreg s18  }
0xd: {  	s0 =	sand.u32 $0x1, s0;
	s1 =	sshll.u32 s20, $0x1;
	[dreg:$0xb] =	wrdreg s19  }
0xe: {  	s6 =	sadd.s32 $0x2200, s3;
	s1 =	sor.u32 s0, s1;
	[dreg:$0xc] =	wrdreg s21  }
0xf: {  	s0 =	ssub.s32 $0x2, s0;
	s13 =	simm.s32 $0xCD00;
	[dreg:$0xd] =	wrdreg s22  }
0x10: {  	s14 =	simm.s32 $0xED00;
	s15 =	simm.s32 $0x10D00;
	[dreg:$0xe] =	wrdreg s23  }
0x11: {  	s16 =	simm.s32 $0x12D00;
	s17 =	simm.s32 $0x14D00;
	[dreg:$0xf] =	wrdreg s24  }
0x12: {  	s18 =	simm.s32 $0x16D00;
	[dreg:$0x10] =	wrdreg s25;
	s19 =	simm.s32 $0x18D00  }
0x13: {  	[dreg:$0x11] =	wrdreg s26;
	s22 =	simm.s32 $0x800;
	s23 =	simm.s32 $0x880  }
0x14: {  	s24 =	simm.s32 $0x900;
	s25 =	simm.s32 $0x980;
	s4 =	smul.u32 $0x1A0, s1  }
0x15: {  	s26 =	simm.s32 $0xA00;
	s5 =	smul.u32 $0x34000, s1;
	s7 =	sshrl.u32 s0, $0x1  }
0x16: {  	s21 =	simm.s32 $0xC80;
	s1 =	smul.u32 $0x6800, s1;
	s0 =	ssub.s32 s0, s7  }
0x17: {  	s7 =	simm.s32 $0x80;
	s4 =	sadd.s32 s4, s3;
	s0 =	smax.u32 s0, $0x1  }
0x18: {  	s5 =	sshrl.u32 s5, $0x3;
	s1 =	sadd.s32 s6, s1;
	p1 =	sne.s32 s0, $0x1  }
.Ltmp0:
0x19: {  	s4 =	sadd.s32 $0x400600, s4;
	s11 =	sadd.s32 s6, s5;
	(pc) =	sbr.rel @!p1 .LBB2_1-.Ltmp0, $4  }
0x1a: {  	[dreg:$0x3] =	wrdreg s1;
	s5 =	sadd.s32 $0x403A00, s3;
	s3 =	simm.s32 $0x2  }
0x1b: {  	s6 =	simm.s32 $0x1;
	[dreg:$0x2] =	wrdreg s4;
	s12 =	sadd.s32 $0x3400, s11  }
0x1c: {  	s1 =	sadd.s32 $0xFFFFFFFF, s0;
	s4 =	simm.s32 $0xD00;
	[dreg:$0x4] =	wrdreg s12  }
0x1d: {  	s11 =	simm.s32 $0x8D00;
	s12 =	simm.s32 $0xAD00;
	s0 =	rddreg [dreg:$0x2]  }
0x1e: {  	[tilespmem:s2], [sflag:$0x2] =	stream.linear.gather [hbm4b:s0+s2], $0xD00, $0x38;
	[tilespmem:$0x1AD00] =	vst v63  }
0x1f: {  	_ =	swait.ge [sflag:s3], $0xD00  }
0x20: {  	[sflag:s3] =	ssyncset.done $0x0  }
0x21: {  	[sflag:s3] =	ssyncadd.s32 $0xFFFFF300  }
0x22: {  	[tilespmem:s4], [sflag:$0x1] =	stream.indirect.gather [hbm4b:s5+s7], $0x40, s2, s7, $0xb8;
	[tilespmem:$0x1AD00] =	vst v63  }
0x23: {  	_ = 	snop  }
0x24: {  	[tilespmem:s8], [sflag:$0x1] =	stream.indirect.gather [hbm4b:s5+s7], $0x40, s7, s7, $0xb8;
	[tilespmem:$0x1AD00] =	vst v63  }
0x25: {  	s0 =	rddreg [dreg:$0x5]  }
0x26: {  	[tilespmem:s9], [sflag:$0x1] =	stream.indirect.gather [hbm4b:s5+s7], $0x40, s0, s7, $0xb8;
	[tilespmem:$0x1AD00] =	vst v63  }
0x27: {  	s20 =	smov.u32 s1;
	s1 =	rddreg [dreg:$0x6]  }
0x28: {  	[tilespmem:s10], [sflag:$0x1] =	stream.indirect.gather [hbm4b:s5+s7], $0x40, s1, s7, $0xb8;
	[tilespmem:$0x1AD00] =	vst v63  }
0x29: {  	s0 =	rddreg [dreg:$0x7]  }
0x2a: {  	[tilespmem:s11], [sflag:$0x1] =	stream.indirect.gather [hbm4b:s5+s7], $0x40, s0, s7, $0xb8;
	[tilespmem:$0x1AD00] =	vst v63  }
0x2b: {  	s1 =	rddreg [dreg:$0x8]  }
0x2c: {  	[tilespmem:s12], [sflag:$0x1] =	stream.indirect.gather [hbm4b:s5+s7], $0x40, s1, s7, $0xb8;
	[tilespmem:$0x1AD00] =	vst v63  }
0x2d: {  	s0 =	rddreg [dreg:$0x9]  }
0x2e: {  	[tilespmem:s13], [sflag:$0x1] =	stream.indirect.gather [hbm4b:s5+s7], $0x40, s0, s7, $0xb8;
	[tilespmem:$0x1AD00] =	vst v63  }
0x2f: {  	s1 =	rddreg [dreg:$0xa]  }
0x30: {  	[tilespmem:s14], [sflag:$0x1] =	stream.indirect.gather [hbm4b:s5+s7], $0x40, s1, s7, $0xb8;
	[tilespmem:$0x1AD00] =	vst v63  }
0x31: {  	s0 =	rddreg [dreg:$0xb]  }
0x32: {  	[tilespmem:s15], [sflag:$0x1] =	stream.indirect.gather [hbm4b:s5+s7], $0x40, s0, s7, $0xb8;
	[tilespmem:$0x1AD00] =	vst v63  }
0x33: {  	s1 =	rddreg [dreg:$0xc]  }
0x34: {  	[tilespmem:s16], [sflag:$0x1] =	stream.indirect.gather [hbm4b:s5+s7], $0x40, s1, s7, $0xb8;
	[tilespmem:$0x1AD00] =	vst v63  }
0x35: {  	s0 =	rddreg [dreg:$0xd]  }
0x36: {  	[tilespmem:s17], [sflag:$0x1] =	stream.indirect.gather [hbm4b:s5+s7], $0x40, s0, s7, $0xb8;
	[tilespmem:$0x1AD00] =	vst v63  }
0x37: {  	s1 =	rddreg [dreg:$0xe]  }
0x38: {  	[tilespmem:s18], [sflag:$0x1] =	stream.indirect.gather [hbm4b:s5+s7], $0x40, s1, s7, $0xb8;
	[tilespmem:$0x1AD00] =	vst v63  }
0x39: {  	s0 =	rddreg [dreg:$0xf]  }
0x3a: {  	[tilespmem:s19], [sflag:$0x1] =	stream.indirect.gather [hbm4b:s5+s7], $0x40, s0, s7, $0xb8;
	[tilespmem:$0x1AD00] =	vst v63  }
0x3b: {  	_ =	swait.ge [sflag:s6], $0x2000  }
0x3c: {  	[sflag:s6] =	ssyncset.done $0x0  }
0x3d: {  	[sflag:s6] =	ssyncadd.s32 $0xFFFFE000  }
0x3e: {  	_ =	swait.ge [sflag:s6], $0x2000  }
0x3f: {  	[sflag:s6] =	ssyncset.done $0x0  }
0x40: {  	[sflag:s6] =	ssyncadd.s32 $0xFFFFE000  }
0x41: {  	_ =	swait.ge [sflag:s6], $0x2000  }
0x42: {  	[sflag:s6] =	ssyncset.done $0x0  }
0x43: {  	[sflag:s6] =	ssyncadd.s32 $0xFFFFE000  }
0x44: {  	_ =	swait.ge [sflag:s6], $0x2000  }
0x45: {  	[sflag:s6] =	ssyncset.done $0x0  }
0x46: {  	[sflag:s6] =	ssyncadd.s32 $0xFFFFE000  }
0x47: {  	_ =	swait.ge [sflag:s6], $0x2000  }
0x48: {  	[sflag:s6] =	ssyncset.done $0x0  }
0x49: {  	[sflag:s6] =	ssyncadd.s32 $0xFFFFE000  }
0x4a: {  	_ =	swait.ge [sflag:s6], $0x2000  }
0x4b: {  	[sflag:s6] =	ssyncset.done $0x0  }
0x4c: {  	[sflag:s6] =	ssyncadd.s32 $0xFFFFE000  }
0x4d: {  	_ =	swait.ge [sflag:s6], $0x2000  }
0x4e: {  	[sflag:s6] =	ssyncset.done $0x0  }
0x4f: {  	[sflag:s6] =	ssyncadd.s32 $0xFFFFE000  }
0x50: {  	_ =	swait.ge [sflag:s6], $0x2000  }
0x51: {  	[sflag:s6] =	ssyncset.done $0x0  }
0x52: {  	[sflag:s6] =	ssyncadd.s32 $0xFFFFE000  }
0x53: {  	_ =	swait.ge [sflag:s6], $0x2000  }
0x54: {  	[sflag:s6] =	ssyncset.done $0x0  }
0x55: {  	[sflag:s6] =	ssyncadd.s32 $0xFFFFE000  }
0x56: {  	_ =	swait.ge [sflag:s6], $0x2000  }
0x57: {  	[sflag:s6] =	ssyncset.done $0x0  }
0x58: {  	[sflag:s6] =	ssyncadd.s32 $0xFFFFE000  }
0x59: {  	_ =	swait.ge [sflag:s6], $0x2000  }
0x5a: {  	[sflag:s6] =	ssyncset.done $0x0  }
0x5b: {  	[sflag:s6] =	ssyncadd.s32 $0xFFFFE000  }
0x5c: {  	_ =	swait.ge [sflag:s6], $0x2000  }
0x5d: {  	[sflag:s6] =	ssyncset.done $0x0  }
0x5e: {  	[sflag:s6] =	ssyncadd.s32 $0xFFFFE000  }
0x5f: {  	_ =	swait.ge [sflag:s6], $0x2000  }
0x60: {  	[sflag:s6] =	ssyncset.done $0x0  }
0x61: {  	s1 =	rddreg [dreg:$0x3];
	[sflag:s6] =	ssyncadd.s32 $0xFFFFE000  }
0x62: {  	[hbm4b:s1+s2] =	stream.linear.scatter [tilespmem:s4], [sflag:$0x2], $0x1A000, $0x38;
	[tilespmem:$0x1AD00] =	vst v63  }
0x63: {  	_ =	swait.ge [sflag:s3], $0x1A000  }
0x64: {  	[sflag:s3] =	ssyncset.done $0x0  }
0x65: {  	s0 =	rddreg [dreg:$0x10];
	[sflag:s3] =	ssyncadd.s32 $0xFFFE6000  }
0x66: {  	[tilespmem:s4], [sflag:$0x1] =	stream.indirect.gather [hbm4b:s5+s7], $0x40, s0, s7, $0xb8;
	[tilespmem:$0x1AD00] =	vst v63  }
0x67: {  	s1 =	rddreg [dreg:$0x11]  }
0x68: {  	[tilespmem:s8], [sflag:$0x1] =	stream.indirect.gather [hbm4b:s5+s7], $0x40, s1, s7, $0xb8;
	[tilespmem:$0x1AD00] =	vst v63  }
0x69: {  	s1 =	simm.s32 $0x780  }
0x6a: {  	[tilespmem:s9], [sflag:$0x1] =	stream.indirect.gather [hbm4b:s5+s7], $0x40, s1, s7, $0xb8;
	[tilespmem:$0x1AD00] =	vst v63  }
0x6b: {  	_ = 	snop  }
0x6c: {  	[tilespmem:s10], [sflag:$0x1] =	stream.indirect.gather [hbm4b:s5+s7], $0x40, s22, s7, $0xb8;
	[tilespmem:$0x1AD00] =	vst v63  }
0x6d: {  	_ = 	snop  }
0x6e: {  	[tilespmem:s11], [sflag:$0x1] =	stream.indirect.gather [hbm4b:s5+s7], $0x40, s23, s7, $0xb8;
	[tilespmem:$0x1AD00] =	vst v63  }
0x6f: {  	_ = 	snop  }
0x70: {  	[tilespmem:s12], [sflag:$0x1] =	stream.indirect.gather [hbm4b:s5+s7], $0x40, s24, s7, $0xb8;
	[tilespmem:$0x1AD00] =	vst v63  }
0x71: {  	_ = 	snop  }
0x72: {  	[tilespmem:s13], [sflag:$0x1] =	stream.indirect.gather [hbm4b:s5+s7], $0x40, s25, s7, $0xb8;
	[tilespmem:$0x1AD00] =	vst v63  }
0x73: {  	_ = 	snop  }
0x74: {  	[tilespmem:s14], [sflag:$0x1] =	stream.indirect.gather [hbm4b:s5+s7], $0x40, s26, s7, $0xb8;
	[tilespmem:$0x1AD00] =	vst v63  }
0x75: {  	_ = 	snop  }
0x76: {  	[tilespmem:s15], [sflag:$0x1] =	stream.indirect.gather [hbm4b:s5+s7], $0x40, s28, s7, $0xb8;
	[tilespmem:$0x1AD00] =	vst v63  }
0x77: {  	_ = 	snop  }
0x78: {  	[tilespmem:s16], [sflag:$0x1] =	stream.indirect.gather [hbm4b:s5+s7], $0x40, s29, s7, $0xb8;
	[tilespmem:$0x1AD00] =	vst v63  }
0x79: {  	_ = 	snop  }
0x7a: {  	[tilespmem:s17], [sflag:$0x1] =	stream.indirect.gather [hbm4b:s5+s7], $0x40, s30, s7, $0xb8;
	[tilespmem:$0x1AD00] =	vst v63  }
0x7b: {  	_ = 	snop  }
0x7c: {  	[tilespmem:s18], [sflag:$0x1] =	stream.indirect.gather [hbm4b:s5+s7], $0x40, s31, s7, $0xb8;
	[tilespmem:$0x1AD00] =	vst v63  }
0x7d: {  	_ = 	snop  }
0x7e: {  	[tilespmem:s19], [sflag:$0x1] =	stream.indirect.gather [hbm4b:s5+s7], $0x40, s21, s7, $0xb8;
	[tilespmem:$0x1AD00] =	vst v63  }
0x7f: {  	_ =	swait.ge [sflag:s6], $0x2000  }
0x80: {  	[sflag:s6] =	ssyncset.done $0x0  }
0x81: {  	[sflag:s6] =	ssyncadd.s32 $0xFFFFE000  }
0x82: {  	_ =	swait.ge [sflag:s6], $0x2000  }
0x83: {  	[sflag:s6] =	ssyncset.done $0x0  }
0x84: {  	[sflag:s6] =	ssyncadd.s32 $0xFFFFE000  }
0x85: {  	_ =	swait.ge [sflag:s6], $0x2000  }
0x86: {  	[sflag:s6] =	ssyncset.done $0x0  }
0x87: {  	[sflag:s6] =	ssyncadd.s32 $0xFFFFE000  }
0x88: {  	_ =	swait.ge [sflag:s6], $0x2000  }
0x89: {  	[sflag:s6] =	ssyncset.done $0x0  }
0x8a: {  	[sflag:s6] =	ssyncadd.s32 $0xFFFFE000  }
0x8b: {  	_ =	swait.ge [sflag:s6], $0x2000  }
0x8c: {  	[sflag:s6] =	ssyncset.done $0x0  }
0x8d: {  	[sflag:s6] =	ssyncadd.s32 $0xFFFFE000  }
0x8e: {  	_ =	swait.ge [sflag:s6], $0x2000  }
0x8f: {  	[sflag:s6] =	ssyncset.done $0x0  }
0x90: {  	[sflag:s6] =	ssyncadd.s32 $0xFFFFE000  }
0x91: {  	_ =	swait.ge [sflag:s6], $0x2000  }
0x92: {  	[sflag:s6] =	ssyncset.done $0x0  }
0x93: {  	[sflag:s6] =	ssyncadd.s32 $0xFFFFE000  }
0x94: {  	_ =	swait.ge [sflag:s6], $0x2000  }
0x95: {  	[sflag:s6] =	ssyncset.done $0x0  }
0x96: {  	[sflag:s6] =	ssyncadd.s32 $0xFFFFE000  }
0x97: {  	_ =	swait.ge [sflag:s6], $0x2000  }
0x98: {  	[sflag:s6] =	ssyncset.done $0x0  }
0x99: {  	[sflag:s6] =	ssyncadd.s32 $0xFFFFE000  }
0x9a: {  	_ =	swait.ge [sflag:s6], $0x2000  }
0x9b: {  	[sflag:s6] =	ssyncset.done $0x0  }
0x9c: {  	[sflag:s6] =	ssyncadd.s32 $0xFFFFE000  }
0x9d: {  	_ =	swait.ge [sflag:s6], $0x2000  }
0x9e: {  	[sflag:s6] =	ssyncset.done $0x0  }
0x9f: {  	[sflag:s6] =	ssyncadd.s32 $0xFFFFE000  }
0xa0: {  	_ =	swait.ge [sflag:s6], $0x2000  }
0xa1: {  	[sflag:s6] =	ssyncset.done $0x0  }
0xa2: {  	[sflag:s6] =	ssyncadd.s32 $0xFFFFE000  }
0xa3: {  	p1 =	sne.s32 s20, $0x1;
	_ =	swait.ge [sflag:s6], $0x2000  }
.Ltmp1:
0xa4: {  	[sflag:s6] =	ssyncset.done $0x0;
	(pc) =	sbr.rel @!p1 .LBB2_3-.Ltmp1, $4  }
0xa5: {  	s1 =	rddreg [dreg:$0x4];
	[sflag:s6] =	ssyncadd.s32 $0xFFFFE000  }
0xa6: {  	[hbm4b:s1+s2] =	stream.linear.scatter [tilespmem:s4], [sflag:$0x2], $0x1A000, $0x38;
	[tilespmem:$0x1AD00] =	vst v63  }
0xa7: {  	p0 =	por $0x1, $0x1;
	_ =	swait.ge [sflag:s3], $0x1A000  }
0xa8: {  	s1 =	sadd.s32 $0xFFFFFFFF, s20;
	s0 =	rddreg [dreg:$0x2];
	[sflag:s3] =	ssyncset.done $0x0  }
.LBB2_4:
0xa9: {  	[sflag:s3] =	ssyncadd.s32 $0xFFFE6000  }
0xaa: {  	[tilespmem:s2], [sflag:$0x2] =	stream.linear.gather [hbm4b:s0+s2], $0xD00, $0x38;
	[tilespmem:$0x1AD00] =	vst v63  }
0xab: {  	_ =	swait.ge [sflag:s3], $0xD00  }
0xac: {  	[sflag:s3] =	ssyncset.done $0x0  }
0xad: {  	[sflag:s3] =	ssyncadd.s32 $0xFFFFF300  }
0xae: {  	[tilespmem:s4], [sflag:$0x1] =	stream.indirect.gather [hbm4b:s5+s7], $0x40, s2, s7, $0xb8;
	[tilespmem:$0x1AD00] =	vst v63  }
0xaf: {  	_ = 	snop  }
0xb0: {  	[tilespmem:s8], [sflag:$0x1] =	stream.indirect.gather [hbm4b:s5+s7], $0x40, s7, s7, $0xb8;
	[tilespmem:$0x1AD00] =	vst v63  }
0xb1: {  	s0 =	rddreg [dreg:$0x5]  }
0xb2: {  	[tilespmem:s9], [sflag:$0x1] =	stream.indirect.gather [hbm4b:s5+s7], $0x40, s0, s7, $0xb8;
	[tilespmem:$0x1AD00] =	vst v63  }
0xb3: {  	s20 =	rddreg [dreg:$0x6]  }
0xb4: {  	[tilespmem:s10], [sflag:$0x1] =	stream.indirect.gather [hbm4b:s5+s7], $0x40, s20, s7, $0xb8;
	[tilespmem:$0x1AD00] =	vst v63  }
0xb5: {  	s0 =	rddreg [dreg:$0x7]  }
0xb6: {  	[tilespmem:s11], [sflag:$0x1] =	stream.indirect.gather [hbm4b:s5+s7], $0x40, s0, s7, $0xb8;
	[tilespmem:$0x1AD00] =	vst v63  }
0xb7: {  	s20 =	rddreg [dreg:$0x8]  }
0xb8: {  	[tilespmem:s12], [sflag:$0x1] =	stream.indirect.gather [hbm4b:s5+s7], $0x40, s20, s7, $0xb8;
	[tilespmem:$0x1AD00] =	vst v63  }
0xb9: {  	s0 =	rddreg [dreg:$0x9]  }
0xba: {  	[tilespmem:s13], [sflag:$0x1] =	stream.indirect.gather [hbm4b:s5+s7], $0x40, s0, s7, $0xb8;
	[tilespmem:$0x1AD00] =	vst v63  }
0xbb: {  	s20 =	rddreg [dreg:$0xa]  }
0xbc: {  	[tilespmem:s14], [sflag:$0x1] =	stream.indirect.gather [hbm4b:s5+s7], $0x40, s20, s7, $0xb8;
	[tilespmem:$0x1AD00] =	vst v63  }
0xbd: {  	s0 =	rddreg [dreg:$0xb]  }
0xbe: {  	[tilespmem:s15], [sflag:$0x1] =	stream.indirect.gather [hbm4b:s5+s7], $0x40, s0, s7, $0xb8;
	[tilespmem:$0x1AD00] =	vst v63  }
0xbf: {  	s20 =	rddreg [dreg:$0xc]  }
0xc0: {  	[tilespmem:s16], [sflag:$0x1] =	stream.indirect.gather [hbm4b:s5+s7], $0x40, s20, s7, $0xb8;
	[tilespmem:$0x1AD00] =	vst v63  }
0xc1: {  	s0 =	rddreg [dreg:$0xd]  }
0xc2: {  	[tilespmem:s17], [sflag:$0x1] =	stream.indirect.gather [hbm4b:s5+s7], $0x40, s0, s7, $0xb8;
	[tilespmem:$0x1AD00] =	vst v63  }
0xc3: {  	s20 =	rddreg [dreg:$0xe]  }
0xc4: {  	[tilespmem:s18], [sflag:$0x1] =	stream.indirect.gather [hbm4b:s5+s7], $0x40, s20, s7, $0xb8;
	[tilespmem:$0x1AD00] =	vst v63  }
0xc5: {  	s0 =	rddreg [dreg:$0xf]  }
0xc6: {  	[tilespmem:s19], [sflag:$0x1] =	stream.indirect.gather [hbm4b:s5+s7], $0x40, s0, s7, $0xb8;
	[tilespmem:$0x1AD00] =	vst v63  }
0xc7: {  	_ =	swait.ge [sflag:s6], $0x2000  }
0xc8: {  	[sflag:s6] =	ssyncset.done $0x0  }
0xc9: {  	[sflag:s6] =	ssyncadd.s32 $0xFFFFE000  }
0xca: {  	_ =	swait.ge [sflag:s6], $0x2000  }
0xcb: {  	[sflag:s6] =	ssyncset.done $0x0  }
0xcc: {  	[sflag:s6] =	ssyncadd.s32 $0xFFFFE000  }
0xcd: {  	_ =	swait.ge [sflag:s6], $0x2000  }
0xce: {  	[sflag:s6] =	ssyncset.done $0x0  }
0xcf: {  	[sflag:s6] =	ssyncadd.s32 $0xFFFFE000  }
0xd0: {  	_ =	swait.ge [sflag:s6], $0x2000  }
0xd1: {  	[sflag:s6] =	ssyncset.done $0x0  }
0xd2: {  	[sflag:s6] =	ssyncadd.s32 $0xFFFFE000  }
0xd3: {  	_ =	swait.ge [sflag:s6], $0x2000  }
0xd4: {  	[sflag:s6] =	ssyncset.done $0x0  }
0xd5: {  	[sflag:s6] =	ssyncadd.s32 $0xFFFFE000  }
0xd6: {  	_ =	swait.ge [sflag:s6], $0x2000  }
0xd7: {  	[sflag:s6] =	ssyncset.done $0x0  }
0xd8: {  	[sflag:s6] =	ssyncadd.s32 $0xFFFFE000  }
0xd9: {  	_ =	swait.ge [sflag:s6], $0x2000  }
0xda: {  	[sflag:s6] =	ssyncset.done $0x0  }
0xdb: {  	[sflag:s6] =	ssyncadd.s32 $0xFFFFE000  }
0xdc: {  	_ =	swait.ge [sflag:s6], $0x2000  }
0xdd: {  	[sflag:s6] =	ssyncset.done $0x0  }
0xde: {  	[sflag:s6] =	ssyncadd.s32 $0xFFFFE000  }
0xdf: {  	_ =	swait.ge [sflag:s6], $0x2000  }
0xe0: {  	[sflag:s6] =	ssyncset.done $0x0  }
0xe1: {  	[sflag:s6] =	ssyncadd.s32 $0xFFFFE000  }
0xe2: {  	_ =	swait.ge [sflag:s6], $0x2000  }
0xe3: {  	[sflag:s6] =	ssyncset.done $0x0  }
0xe4: {  	[sflag:s6] =	ssyncadd.s32 $0xFFFFE000  }
0xe5: {  	_ =	swait.ge [sflag:s6], $0x2000  }
0xe6: {  	[sflag:s6] =	ssyncset.done $0x0  }
0xe7: {  	[sflag:s6] =	ssyncadd.s32 $0xFFFFE000  }
0xe8: {  	_ =	swait.ge [sflag:s6], $0x2000  }
0xe9: {  	[sflag:s6] =	ssyncset.done $0x0  }
0xea: {  	[sflag:s6] =	ssyncadd.s32 $0xFFFFE000  }
0xeb: {  	_ =	swait.ge [sflag:s6], $0x2000  }
0xec: {  	[sflag:s6] =	ssyncset.done $0x0  }
0xed: {  	s20 =	rddreg [dreg:$0x3];
	[sflag:s6] =	ssyncadd.s32 $0xFFFFE000  }
0xee: {  	[hbm4b:s20+s2] =	stream.linear.scatter [tilespmem:s4], [sflag:$0x2], $0x1A000, $0x38;
	[tilespmem:$0x1AD00] =	vst v63  }
0xef: {  	_ =	swait.ge [sflag:s3], $0x1A000  }
0xf0: {  	[sflag:s3] =	ssyncset.done $0x0  }
0xf1: {  	s0 =	rddreg [dreg:$0x10];
	[sflag:s3] =	ssyncadd.s32 $0xFFFE6000  }
0xf2: {  	[tilespmem:s4], [sflag:$0x1] =	stream.indirect.gather [hbm4b:s5+s7], $0x40, s0, s7, $0xb8;
	[tilespmem:$0x1AD00] =	vst v63  }
0xf3: {  	s20 =	rddreg [dreg:$0x11]  }
0xf4: {  	[tilespmem:s8], [sflag:$0x1] =	stream.indirect.gather [hbm4b:s5+s7], $0x40, s20, s7, $0xb8;
	[tilespmem:$0x1AD00] =	vst v63  }
0xf5: {  	s20 =	simm.s32 $0x780  }
0xf6: {  	[tilespmem:s9], [sflag:$0x1] =	stream.indirect.gather [hbm4b:s5+s7], $0x40, s20, s7, $0xb8;
	[tilespmem:$0x1AD00] =	vst v63  }
0xf7: {  	_ = 	snop  }
0xf8: {  	[tilespmem:s10], [sflag:$0x1] =	stream.indirect.gather [hbm4b:s5+s7], $0x40, s22, s7, $0xb8;
	[tilespmem:$0x1AD00] =	vst v63  }
0xf9: {  	_ = 	snop  }
0xfa: {  	[tilespmem:s11], [sflag:$0x1] =	stream.indirect.gather [hbm4b:s5+s7], $0x40, s23, s7, $0xb8;
	[tilespmem:$0x1AD00] =	vst v63  }
0xfb: {  	_ = 	snop  }
0xfc: {  	[tilespmem:s12], [sflag:$0x1] =	stream.indirect.gather [hbm4b:s5+s7], $0x40, s24, s7, $0xb8;
	[tilespmem:$0x1AD00] =	vst v63  }
0xfd: {  	_ = 	snop  }
0xfe: {  	[tilespmem:s13], [sflag:$0x1] =	stream.indirect.gather [hbm4b:s5+s7], $0x40, s25, s7, $0xb8;
	[tilespmem:$0x1AD00] =	vst v63  }
0xff: {  	_ = 	snop  }
0x100: {  	[tilespmem:s14], [sflag:$0x1] =	stream.indirect.gather [hbm4b:s5+s7], $0x40, s26, s7, $0xb8;
	[tilespmem:$0x1AD00] =	vst v63  }
0x101: {  	_ = 	snop  }
0x102: {  	[tilespmem:s15], [sflag:$0x1] =	stream.indirect.gather [hbm4b:s5+s7], $0x40, s28, s7, $0xb8;
	[tilespmem:$0x1AD00] =	vst v63  }
0x103: {  	_ = 	snop  }
0x104: {  	[tilespmem:s16], [sflag:$0x1] =	stream.indirect.gather [hbm4b:s5+s7], $0x40, s29, s7, $0xb8;
	[tilespmem:$0x1AD00] =	vst v63  }
0x105: {  	_ = 	snop  }
0x106: {  	[tilespmem:s17], [sflag:$0x1] =	stream.indirect.gather [hbm4b:s5+s7], $0x40, s30, s7, $0xb8;
	[tilespmem:$0x1AD00] =	vst v63  }
0x107: {  	_ = 	snop  }
0x108: {  	[tilespmem:s18], [sflag:$0x1] =	stream.indirect.gather [hbm4b:s5+s7], $0x40, s31, s7, $0xb8;
	[tilespmem:$0x1AD00] =	vst v63  }
0x109: {  	_ = 	snop  }
0x10a: {  	[tilespmem:s19], [sflag:$0x1] =	stream.indirect.gather [hbm4b:s5+s7], $0x40, s21, s7, $0xb8;
	[tilespmem:$0x1AD00] =	vst v63  }
0x10b: {  	_ =	swait.ge [sflag:s6], $0x2000  }
0x10c: {  	[sflag:s6] =	ssyncset.done $0x0  }
0x10d: {  	[sflag:s6] =	ssyncadd.s32 $0xFFFFE000  }
0x10e: {  	_ =	swait.ge [sflag:s6], $0x2000  }
0x10f: {  	[sflag:s6] =	ssyncset.done $0x0  }
0x110: {  	[sflag:s6] =	ssyncadd.s32 $0xFFFFE000  }
0x111: {  	_ =	swait.ge [sflag:s6], $0x2000  }
0x112: {  	[sflag:s6] =	ssyncset.done $0x0  }
0x113: {  	[sflag:s6] =	ssyncadd.s32 $0xFFFFE000  }
0x114: {  	_ =	swait.ge [sflag:s6], $0x2000  }
0x115: {  	[sflag:s6] =	ssyncset.done $0x0  }
0x116: {  	[sflag:s6] =	ssyncadd.s32 $0xFFFFE000  }
0x117: {  	_ =	swait.ge [sflag:s6], $0x2000  }
0x118: {  	[sflag:s6] =	ssyncset.done $0x0  }
0x119: {  	[sflag:s6] =	ssyncadd.s32 $0xFFFFE000  }
0x11a: {  	_ =	swait.ge [sflag:s6], $0x2000  }
0x11b: {  	[sflag:s6] =	ssyncset.done $0x0  }
0x11c: {  	[sflag:s6] =	ssyncadd.s32 $0xFFFFE000  }
0x11d: {  	_ =	swait.ge [sflag:s6], $0x2000  }
0x11e: {  	[sflag:s6] =	ssyncset.done $0x0  }
0x11f: {  	[sflag:s6] =	ssyncadd.s32 $0xFFFFE000  }
0x120: {  	_ =	swait.ge [sflag:s6], $0x2000  }
0x121: {  	[sflag:s6] =	ssyncset.done $0x0  }
0x122: {  	[sflag:s6] =	ssyncadd.s32 $0xFFFFE000  }
0x123: {  	_ =	swait.ge [sflag:s6], $0x2000  }
0x124: {  	[sflag:s6] =	ssyncset.done $0x0  }
0x125: {  	[sflag:s6] =	ssyncadd.s32 $0xFFFFE000  }
0x126: {  	_ =	swait.ge [sflag:s6], $0x2000  }
0x127: {  	[sflag:s6] =	ssyncset.done $0x0  }
0x128: {  	[sflag:s6] =	ssyncadd.s32 $0xFFFFE000  }
0x129: {  	_ =	swait.ge [sflag:s6], $0x2000  }
0x12a: {  	[sflag:s6] =	ssyncset.done $0x0  }
0x12b: {  	[sflag:s6] =	ssyncadd.s32 $0xFFFFE000  }
0x12c: {  	_ =	swait.ge [sflag:s6], $0x2000  }
0x12d: {  	[sflag:s6] =	ssyncset.done $0x0  }
0x12e: {  	[sflag:s6] =	ssyncadd.s32 $0xFFFFE000  }
0x12f: {  	p1 =	sne.s32 s1, $0x1;
	_ =	swait.ge [sflag:s6], $0x2000  }
.Ltmp2:
0x130: {  	[sflag:s6] =	ssyncset.done $0x0;
	(pc) =	sbr.rel @p1 .LBB2_4-.Ltmp2, $4  }
0x131: {  	s20 =	rddreg [dreg:$0x4];
	[sflag:s6] =	ssyncadd.s32 $0xFFFFE000  }
0x132: {  	[hbm4b:s20+s2] =	stream.linear.scatter [tilespmem:s4], [sflag:$0x2], $0x1A000, $0x38;
	[tilespmem:$0x1AD00] =	vst v63  }
0x133: {  	_ =	swait.ge [sflag:s3], $0x1A000  }
0x134: {  	s1 =	sadd.s32 $0xFFFFFFFF, s1;
	s0 =	rddreg [dreg:$0x2];
	[sflag:s3] =	ssyncset.done $0x0  }
0x135: {  	s31 =	simm.s32 $0xC00;
	s30 =	simm.s32 $0xB80  }
0x136: {  	s29 =	simm.s32 $0xB00;
	s28 =	simm.s32 $0xA80;
	s26 =	simm.s32 $0xA00  }
0x137: {  	s25 =	simm.s32 $0x980;
	s24 =	simm.s32 $0x900;
	s23 =	simm.s32 $0x880  }
0x138: {  	s22 =	simm.s32 $0x800;
	s21 =	simm.s32 $0x780;
	s20 =	stileid.u32  }
.LBB2_6:
0x139: {  	[sflag:s3] =	ssyncadd.s32 @p0 $0xFFFE6000  }
0x13a: {  	[tilespmem:s2], [sflag:$0x2] =	stream.linear.gather [hbm4b:s0+s2], $0xD00, $0x38;
	[tilespmem:$0x1AD00] =	vst v63  }
0x13b: {  	_ =	swait.ge [sflag:s3], $0xD00  }
0x13c: {  	[sflag:s3] =	ssyncset.done $0x0  }
0x13d: {  	[sflag:s3] =	ssyncadd.s32 $0xFFFFF300  }
0x13e: {  	[tilespmem:s4], [sflag:$0x1] =	stream.indirect.gather [hbm4b:s5+s7], $0x40, s2, s7, $0xb8;
	[tilespmem:$0x1AD00] =	vst v63  }
0x13f: {  	_ = 	snop  }
0x140: {  	[tilespmem:s8], [sflag:$0x1] =	stream.indirect.gather [hbm4b:s5+s7], $0x40, s7, s7, $0xb8;
	[tilespmem:$0x1AD00] =	vst v63  }
0x141: {  	s0 =	rddreg [dreg:$0x5]  }
0x142: {  	[tilespmem:s9], [sflag:$0x1] =	stream.indirect.gather [hbm4b:s5+s7], $0x40, s0, s7, $0xb8;
	[tilespmem:$0x1AD00] =	vst v63  }
0x143: {  	s1 =	rddreg [dreg:$0x6]  }
0x144: {  	[tilespmem:s10], [sflag:$0x1] =	stream.indirect.gather [hbm4b:s5+s7], $0x40, s1, s7, $0xb8;
	[tilespmem:$0x1AD00] =	vst v63  }
0x145: {  	s0 =	rddreg [dreg:$0x7]  }
0x146: {  	[tilespmem:s11], [sflag:$0x1] =	stream.indirect.gather [hbm4b:s5+s7], $0x40, s0, s7, $0xb8;
	[tilespmem:$0x1AD00] =	vst v63  }
0x147: {  	s1 =	rddreg [dreg:$0x8]  }
0x148: {  	[tilespmem:s12], [sflag:$0x1] =	stream.indirect.gather [hbm4b:s5+s7], $0x40, s1, s7, $0xb8;
	[tilespmem:$0x1AD00] =	vst v63  }
0x149: {  	s0 =	rddreg [dreg:$0x9]  }
0x14a: {  	[tilespmem:s13], [sflag:$0x1] =	stream.indirect.gather [hbm4b:s5+s7], $0x40, s0, s7, $0xb8;
	[tilespmem:$0x1AD00] =	vst v63  }
0x14b: {  	s1 =	rddreg [dreg:$0xa]  }
0x14c: {  	[tilespmem:s14], [sflag:$0x1] =	stream.indirect.gather [hbm4b:s5+s7], $0x40, s1, s7, $0xb8;
	[tilespmem:$0x1AD00] =	vst v63  }
0x14d: {  	s0 =	rddreg [dreg:$0xb]  }
0x14e: {  	[tilespmem:s15], [sflag:$0x1] =	stream.indirect.gather [hbm4b:s5+s7], $0x40, s0, s7, $0xb8;
	[tilespmem:$0x1AD00] =	vst v63  }
0x14f: {  	s1 =	rddreg [dreg:$0xc]  }
0x150: {  	[tilespmem:s16], [sflag:$0x1] =	stream.indirect.gather [hbm4b:s5+s7], $0x40, s1, s7, $0xb8;
	[tilespmem:$0x1AD00] =	vst v63  }
0x151: {  	s0 =	rddreg [dreg:$0xd]  }
0x152: {  	[tilespmem:s17], [sflag:$0x1] =	stream.indirect.gather [hbm4b:s5+s7], $0x40, s0, s7, $0xb8;
	[tilespmem:$0x1AD00] =	vst v63  }
0x153: {  	s1 =	rddreg [dreg:$0xe]  }
0x154: {  	[tilespmem:s18], [sflag:$0x1] =	stream.indirect.gather [hbm4b:s5+s7], $0x40, s1, s7, $0xb8;
	[tilespmem:$0x1AD00] =	vst v63  }
0x155: {  	s0 =	rddreg [dreg:$0xf]  }
0x156: {  	[tilespmem:s19], [sflag:$0x1] =	stream.indirect.gather [hbm4b:s5+s7], $0x40, s0, s7, $0xb8;
	[tilespmem:$0x1AD00] =	vst v63  }
0x157: {  	_ =	swait.ge [sflag:s6], $0x2000  }
0x158: {  	[sflag:s6] =	ssyncset.done $0x0  }
0x159: {  	[sflag:s6] =	ssyncadd.s32 $0xFFFFE000  }
0x15a: {  	_ =	swait.ge [sflag:s6], $0x2000  }
0x15b: {  	[sflag:s6] =	ssyncset.done $0x0  }
0x15c: {  	[sflag:s6] =	ssyncadd.s32 $0xFFFFE000  }
0x15d: {  	_ =	swait.ge [sflag:s6], $0x2000  }
0x15e: {  	[sflag:s6] =	ssyncset.done $0x0  }
0x15f: {  	[sflag:s6] =	ssyncadd.s32 $0xFFFFE000  }
0x160: {  	_ =	swait.ge [sflag:s6], $0x2000  }
0x161: {  	[sflag:s6] =	ssyncset.done $0x0  }
0x162: {  	[sflag:s6] =	ssyncadd.s32 $0xFFFFE000  }
0x163: {  	_ =	swait.ge [sflag:s6], $0x2000  }
0x164: {  	[sflag:s6] =	ssyncset.done $0x0  }
0x165: {  	[sflag:s6] =	ssyncadd.s32 $0xFFFFE000  }
0x166: {  	_ =	swait.ge [sflag:s6], $0x2000  }
0x167: {  	[sflag:s6] =	ssyncset.done $0x0  }
0x168: {  	[sflag:s6] =	ssyncadd.s32 $0xFFFFE000  }
0x169: {  	_ =	swait.ge [sflag:s6], $0x2000  }
0x16a: {  	[sflag:s6] =	ssyncset.done $0x0  }
0x16b: {  	[sflag:s6] =	ssyncadd.s32 $0xFFFFE000  }
0x16c: {  	_ =	swait.ge [sflag:s6], $0x2000  }
0x16d: {  	[sflag:s6] =	ssyncset.done $0x0  }
0x16e: {  	[sflag:s6] =	ssyncadd.s32 $0xFFFFE000  }
0x16f: {  	_ =	swait.ge [sflag:s6], $0x2000  }
0x170: {  	[sflag:s6] =	ssyncset.done $0x0  }
0x171: {  	[sflag:s6] =	ssyncadd.s32 $0xFFFFE000  }
0x172: {  	_ =	swait.ge [sflag:s6], $0x2000  }
0x173: {  	[sflag:s6] =	ssyncset.done $0x0  }
0x174: {  	[sflag:s6] =	ssyncadd.s32 $0xFFFFE000  }
0x175: {  	_ =	swait.ge [sflag:s6], $0x2000  }
0x176: {  	[sflag:s6] =	ssyncset.done $0x0  }
0x177: {  	[sflag:s6] =	ssyncadd.s32 $0xFFFFE000  }
0x178: {  	_ =	swait.ge [sflag:s6], $0x2000  }
0x179: {  	[sflag:s6] =	ssyncset.done $0x0  }
0x17a: {  	[sflag:s6] =	ssyncadd.s32 $0xFFFFE000  }
0x17b: {  	_ =	swait.ge [sflag:s6], $0x2000  }
0x17c: {  	[sflag:s6] =	ssyncset.done $0x0  }
0x17d: {  	s1 =	rddreg [dreg:$0x3];
	[sflag:s6] =	ssyncadd.s32 $0xFFFFE000  }
0x17e: {  	[hbm4b:s1+s2] =	stream.linear.scatter [tilespmem:s4], [sflag:$0x2], $0x1A000, $0x38;
	[tilespmem:$0x1AD00] =	vst v63  }
0x17f: {  	_ =	swait.ge [sflag:s3], $0x1A000  }
0x180: {  	[sflag:s3] =	ssyncset.done $0x0  }
0x181: {  	s0 =	rddreg [dreg:$0x10];
	[sflag:s3] =	ssyncadd.s32 $0xFFFE6000  }
0x182: {  	[tilespmem:s4], [sflag:$0x1] =	stream.indirect.gather [hbm4b:s5+s7], $0x40, s0, s7, $0xb8;
	[tilespmem:$0x1AD00] =	vst v63  }
0x183: {  	s1 =	rddreg [dreg:$0x11]  }
0x184: {  	[tilespmem:s8], [sflag:$0x1] =	stream.indirect.gather [hbm4b:s5+s7], $0x40, s1, s7, $0xb8;
	[tilespmem:$0x1AD00] =	vst v63  }
0x185: {  	_ = 	snop  }
0x186: {  	[tilespmem:s9], [sflag:$0x1] =	stream.indirect.gather [hbm4b:s5+s7], $0x40, s21, s7, $0xb8;
	[tilespmem:$0x1AD00] =	vst v63  }
0x187: {  	_ = 	snop  }
0x188: {  	[tilespmem:s10], [sflag:$0x1] =	stream.indirect.gather [hbm4b:s5+s7], $0x40, s22, s7, $0xb8;
	[tilespmem:$0x1AD00] =	vst v63  }
0x189: {  	_ = 	snop  }
0x18a: {  	[tilespmem:s11], [sflag:$0x1] =	stream.indirect.gather [hbm4b:s5+s7], $0x40, s23, s7, $0xb8;
	[tilespmem:$0x1AD00] =	vst v63  }
0x18b: {  	_ = 	snop  }
0x18c: {  	[tilespmem:s12], [sflag:$0x1] =	stream.indirect.gather [hbm4b:s5+s7], $0x40, s24, s7, $0xb8;
	[tilespmem:$0x1AD00] =	vst v63  }
0x18d: {  	_ = 	snop  }
0x18e: {  	[tilespmem:s13], [sflag:$0x1] =	stream.indirect.gather [hbm4b:s5+s7], $0x40, s25, s7, $0xb8;
	[tilespmem:$0x1AD00] =	vst v63  }
0x18f: {  	_ = 	snop  }
0x190: {  	[tilespmem:s14], [sflag:$0x1] =	stream.indirect.gather [hbm4b:s5+s7], $0x40, s26, s7, $0xb8;
	[tilespmem:$0x1AD00] =	vst v63  }
0x191: {  	_ = 	snop  }
0x192: {  	[tilespmem:s15], [sflag:$0x1] =	stream.indirect.gather [hbm4b:s5+s7], $0x40, s28, s7, $0xb8;
	[tilespmem:$0x1AD00] =	vst v63  }
0x193: {  	_ = 	snop  }
0x194: {  	[tilespmem:s16], [sflag:$0x1] =	stream.indirect.gather [hbm4b:s5+s7], $0x40, s29, s7, $0xb8;
	[tilespmem:$0x1AD00] =	vst v63  }
0x195: {  	_ = 	snop  }
0x196: {  	[tilespmem:s17], [sflag:$0x1] =	stream.indirect.gather [hbm4b:s5+s7], $0x40, s30, s7, $0xb8;
	[tilespmem:$0x1AD00] =	vst v63  }
0x197: {  	_ = 	snop  }
0x198: {  	[tilespmem:s18], [sflag:$0x1] =	stream.indirect.gather [hbm4b:s5+s7], $0x40, s31, s7, $0xb8;
	[tilespmem:$0x1AD00] =	vst v63  }
0x199: {  	s30 =	simm.s32 $0xC80  }
0x19a: {  	[tilespmem:s19], [sflag:$0x1] =	stream.indirect.gather [hbm4b:s5+s7], $0x40, s30, s7, $0xb8;
	[tilespmem:$0x1AD00] =	vst v63  }
0x19b: {  	_ =	swait.ge [sflag:s6], $0x2000  }
0x19c: {  	[sflag:s6] =	ssyncset.done $0x0  }
0x19d: {  	[sflag:s6] =	ssyncadd.s32 $0xFFFFE000  }
0x19e: {  	_ =	swait.ge [sflag:s6], $0x2000  }
0x19f: {  	[sflag:s6] =	ssyncset.done $0x0  }
0x1a0: {  	[sflag:s6] =	ssyncadd.s32 $0xFFFFE000  }
0x1a1: {  	_ =	swait.ge [sflag:s6], $0x2000  }
0x1a2: {  	[sflag:s6] =	ssyncset.done $0x0  }
0x1a3: {  	[sflag:s6] =	ssyncadd.s32 $0xFFFFE000  }
0x1a4: {  	_ =	swait.ge [sflag:s6], $0x2000  }
0x1a5: {  	[sflag:s6] =	ssyncset.done $0x0  }
0x1a6: {  	[sflag:s6] =	ssyncadd.s32 $0xFFFFE000  }
0x1a7: {  	_ =	swait.ge [sflag:s6], $0x2000  }
0x1a8: {  	[sflag:s6] =	ssyncset.done $0x0  }
0x1a9: {  	[sflag:s6] =	ssyncadd.s32 $0xFFFFE000  }
0x1aa: {  	_ =	swait.ge [sflag:s6], $0x2000  }
0x1ab: {  	[sflag:s6] =	ssyncset.done $0x0  }
0x1ac: {  	[sflag:s6] =	ssyncadd.s32 $0xFFFFE000  }
0x1ad: {  	_ =	swait.ge [sflag:s6], $0x2000  }
0x1ae: {  	[sflag:s6] =	ssyncset.done $0x0  }
0x1af: {  	[sflag:s6] =	ssyncadd.s32 $0xFFFFE000  }
0x1b0: {  	_ =	swait.ge [sflag:s6], $0x2000  }
0x1b1: {  	[sflag:s6] =	ssyncset.done $0x0  }
0x1b2: {  	[sflag:s6] =	ssyncadd.s32 $0xFFFFE000  }
0x1b3: {  	_ =	swait.ge [sflag:s6], $0x2000  }
0x1b4: {  	[sflag:s6] =	ssyncset.done $0x0  }
0x1b5: {  	[sflag:s6] =	ssyncadd.s32 $0xFFFFE000  }
0x1b6: {  	_ =	swait.ge [sflag:s6], $0x2000  }
0x1b7: {  	[sflag:s6] =	ssyncset.done $0x0  }
0x1b8: {  	[sflag:s6] =	ssyncadd.s32 $0xFFFFE000  }
0x1b9: {  	_ =	swait.ge [sflag:s6], $0x2000  }
0x1ba: {  	[sflag:s6] =	ssyncset.done $0x0  }
0x1bb: {  	[sflag:s6] =	ssyncadd.s32 $0xFFFFE000  }
0x1bc: {  	_ =	swait.ge [sflag:s6], $0x2000  }
0x1bd: {  	[sflag:s6] =	ssyncset.done $0x0  }
0x1be: {  	[sflag:s6] =	ssyncadd.s32 $0xFFFFE000  }
0x1bf: {  	_ =	swait.ge [sflag:s6], $0x2000  }
0x1c0: {  	[sflag:s6] =	ssyncset.done $0x0  }
0x1c1: {  	s31 =	rddreg [dreg:$0x4];
	[sflag:s6] =	ssyncadd.s32 $0xFFFFE000  }
0x1c2: {  	[hbm4b:s31+s2] =	stream.linear.scatter [tilespmem:s4], [sflag:$0x2], $0x1A000, $0x38;
	[tilespmem:$0x1AD00] =	vst v63  }
0x1c3: {  	_ =	swait.ge [sflag:s3], $0x1A000  }
0x1c4: {  	[sflag:s3] =	ssyncset.done $0x0  }
0x1c5: {  	[sflag:s3] =	ssyncadd.s32 $0xFFFE6000  }
0x1c6: {  	_ =	sfence.sel $0x180000  }
0x1c7: {  	[bflag:$0x0] =	sbarrier.arrive $0xFFFF  }
0x1c8: {  	_ =	strace $0x9000004A  }
0x1c9: {  	[bflag:$0x2] =	sbarrier.arrive $0xFFFF  }
0x1ca: {  	p0 =	sne.s32 s20, $0x0;
	s0 =	rddreg [dreg:$0x1]  }
0x1cb: {  	s0 =	sadd.s32 @!p0 $0x100000, s0  }
0x1cc: {  	[sflag:s0] =	ssyncadd.tile.s32 @!p0 $0x1;
	_ =	shalt  }
.LBB2_1:
.Ltmp3:
0x1cd: {  	(pc) =	sbr.rel .LBB2_6-.Ltmp3, $4  }
0x1ce: {  	s31 =	simm.s32 $0xC00  }
0x1cf: {  	s30 =	simm.s32 $0xB80;
	s29 =	simm.s32 $0xB00;
	s28 =	simm.s32 $0xA80  }
0x1d0: {  	s26 =	simm.s32 $0xA00;
	s25 =	simm.s32 $0x980;
	s24 =	simm.s32 $0x900  }
0x1d1: {  	s23 =	simm.s32 $0x880;
	s22 =	simm.s32 $0x800;
	s21 =	simm.s32 $0x780  }
.LBB2_3:
.Ltmp4:
0x1d2: {  	(pc) =	sbr.rel .LBB2_6-.Ltmp4, $4  }
0x1d3: {  	s31 =	simm.s32 $0xC00;
	s30 =	simm.s32 $0xB80  }
0x1d4: {  	s29 =	simm.s32 $0xB00;
	s28 =	simm.s32 $0xA80;
	s26 =	simm.s32 $0xA00  }
0x1d5: {  	s25 =	simm.s32 $0x980;
	s24 =	simm.s32 $0x900;
	s23 =	simm.s32 $0x880  }
0x1d6: {  	s22 =	simm.s32 $0x800;
	s21 =	simm.s32 $0x780;
	s20 =	stileid.u32  }
.Lfunc_end2:
_tile_overlayer_lowered:
.L_overlay_start_2:
0x1d7: {  	(tag) =	ssettag $0x2  }
0x1d8: {  	s0 =	rddreg [dreg:$0x0];
	s2 =	stileid.u32  }
0x1d9: {  	s1 =	rddreg [dreg:$0x1];
	p0 =	sne.s32 s2, $0x0  }
0x1da: {  	s3 =	rddreg [dreg:$0x2];
	[bflag:$0x3] =	sbarrier.arrive $0xFFFF;
	s2 =	simm.s32 @!p0 $0x1C02  }
0x1db: {  	[timem:s3], [sflag:s2] =	dma.local @!p0 [hbm:s0], s1  }
0x1dc: {  	s0 =	simm.s32 @!p0 $0x2  }
0x1dd: {  	_ =	swait.ge @!p0 [sflag:s0], s1  }
0x1de: {  	s1 =	ssub.s32 @!p0 $0x0, s1;
	[sflag:s0] =	ssyncset.done @!p0 $0x0  }
0x1df: {  	[sflag:s0] =	ssyncadd.s32 @!p0 s1  }
0x1e0: {  	[bflag:$0x3] =	sbarrier.arrive $0xFFFF  }
0x1e1: {  	_ =	shalt  }

</sc_bundles>
